<compile_context>
chip_gen: v7x
topology: tpu7x:2x2x1
jax: 0.10.2.dev20260603
libtpu: 0.0.44.dev20260713+nightly
codegen_flags: <defaults>
</compile_context>

<pallas_src>
import functools

import jax
import jax.numpy as jnp
from jax import lax
from jax.experimental import pallas as pl
from jax.experimental.pallas import tpu as pltpu
from jax.experimental.pallas import tpu_sc as plsc

N_NODES = 10000
N_EDGES = 320000
D = 128

NC = 2
NS = 16
NW = NC * NS
E_TILE = N_EDGES // NW
E_CH = 80
N_CH = E_TILE // E_CH
N_PAD = 10240
ROWS_TILE = N_PAD // NS
ST_LEN = 10112
E_FLAT = 2 * N_EDGES + 128


def _fill_f32(ref, rows, cols, value):
    per_row = cols // 16

    def body(t, carry):
        i = t // per_row
        j = t % per_row
        ref[i, pl.ds(j * 16, 16)] = jnp.full((16,), value, jnp.float32)
        return carry

    lax.fori_loop(0, rows * per_row, body, 0)


def _sc_aggregate(features, edges1d):
    mesh = plsc.VectorSubcoreMesh(core_axis_name="c", subcore_axis_name="s")

    @functools.partial(
        pl.kernel,
        mesh=mesh,
        out_type=[
            jax.ShapeDtypeStruct((NC, N_NODES, D), jnp.float32),
            jax.ShapeDtypeStruct((NC, N_PAD), jnp.float32),
        ],
        scratch_types=[
            pltpu.VMEM((ST_LEN,), jnp.int32),
            pltpu.VMEM((ST_LEN,), jnp.int32),
            pltpu.VMEM((2, E_CH, D), jnp.float32),
            pltpu.VMEM((128,), jnp.float32),
            pltpu.VMEM_SHARED((N_PAD, D), jnp.float32),
            pltpu.VMEM_SHARED((N_PAD,), jnp.float32),
            pltpu.SemaphoreType.DMA,
            pltpu.SemaphoreType.DMA,
            pltpu.SemaphoreType.DMA,
        ],
    )
    def agg(features_hbm, edges_hbm, psum_hbm, pcnt_hbm,
            src_v, dst_v, rows2, ones_v, acc, cacc,
            sem_ga, sem_gb, sem_sa):
        cid = lax.axis_index("c")
        sid = lax.axis_index("s")
        gid = cid * NS + sid
        base = sid * ROWS_TILE

        zbuf = rows2.at[0]
        _fill_f32(zbuf, E_CH, D, 0.0)
        for k in range(ROWS_TILE // E_CH):
            pltpu.sync_copy(zbuf, acc.at[pl.ds(base + k * E_CH, E_CH)])
        for k in range(ROWS_TILE // D):
            pltpu.sync_copy(zbuf.at[0], cacc.at[pl.ds(base + k * D, D)])

        def fill_ones(j, carry):
            ones_v[pl.ds(j * 16, 16)] = jnp.full((16,), 1.0, jnp.float32)
            return carry

        lax.fori_loop(0, 128 // 16, fill_ones, 0)

        pltpu.sync_copy(edges_hbm.at[pl.ds(gid * E_TILE, ST_LEN)], src_v)
        pltpu.sync_copy(edges_hbm.at[pl.ds(N_EDGES + gid * E_TILE, ST_LEN)],
                        dst_v)

        plsc.subcore_barrier()

        gsem = (sem_ga, sem_gb)

        def gather(c, buf):
            pltpu.async_copy(
                features_hbm.at[src_v.at[pl.ds(c * E_CH, E_CH)]],
                rows2.at[buf], gsem[buf])

        def drain_g(buf):
            pltpu.make_async_copy(
                features_hbm.at[src_v.at[pl.ds(0, E_CH)]],
                rows2.at[buf], gsem[buf]).wait()

        def scatter(c, buf):
            idx = dst_v.at[pl.ds(c * E_CH, E_CH)]
            pltpu.sync_copy(rows2.at[buf], acc.at[idx], add=True)

        def ones_issue(o):
            idx = dst_v.at[pl.ds(o * 128, 128)]
            pltpu.async_copy(ones_v, cacc.at[idx], sem_sa, add=True)

        def drain_ones():
            pltpu.make_async_copy(ones_v, cacc.at[dst_v.at[pl.ds(0, 128)]],
                                  sem_sa).wait()

        gather(0, 0)

        def chunk2(p, carry):
            c = 2 * p
            gather(c + 1, 1)
            drain_g(0)
            scatter(c, 0)
            gather(c + 2, 0)
            drain_g(1)
            scatter(c + 1, 1)

            @pl.when(p < 39)
            def _():
                ones_issue(2 * p)
                ones_issue(2 * p + 1)

            @pl.when((p > 0) & (p < 40))
            def _():
                drain_ones()
                drain_ones()

            return carry

        lax.fori_loop(0, (N_CH - 3) // 2, chunk2, 0)
        gather(N_CH - 2, 1)
        drain_g(0)
        scatter(N_CH - 3, 0)
        gather(N_CH - 1, 0)
        drain_g(1)
        scatter(N_CH - 2, 1)
        drain_g(0)
        scatter(N_CH - 1, 0)
        idx16 = dst_v.at[pl.ds(78 * 128, 16)]
        pltpu.async_copy(ones_v.at[pl.ds(0, 16)], cacc.at[idx16], sem_sa,
                         add=True)
        pltpu.make_async_copy(ones_v.at[pl.ds(0, 16)], cacc.at[idx16],
                              sem_sa).wait()

        plsc.subcore_barrier()

        for k in range(ROWS_TILE // E_CH):
            r0 = base + k * E_CH

            @pl.when(r0 + E_CH <= N_NODES)
            def _():
                pltpu.async_copy(acc.at[pl.ds(r0, E_CH)],
                                 psum_hbm.at[cid, pl.ds(r0, E_CH)], sem_gb)

        pltpu.sync_copy(cacc.at[pl.ds(base, ROWS_TILE)],
                        pcnt_hbm.at[cid, pl.ds(base, ROWS_TILE)])
        for k in range(ROWS_TILE // E_CH):
            r0 = base + k * E_CH

            @pl.when(r0 + E_CH <= N_NODES)
            def _():
                pltpu.make_async_copy(
                    acc.at[pl.ds(r0, E_CH)],
                    psum_hbm.at[cid, pl.ds(r0, E_CH)], sem_gb).wait()

    return agg(features, edges1d)


BLK = 2000


def _tc_finish(psum, cnt2, features, W_relT, W_rootT, ln_w2, ln_b2):
    def body(ps_ref, pc_ref, x_ref, wr_ref, wt_ref, lnw_ref, lnb_ref, o_ref):
        s = ps_ref[0] + ps_ref[1]
        cnt = jnp.sum(pc_ref[...], axis=1, keepdims=True)
        mean = s / jnp.maximum(cnt, 1.0)
        out = jnp.dot(mean, wr_ref[...], preferred_element_type=jnp.float32)
        out = out + jnp.dot(x_ref[...], wt_ref[...],
                            preferred_element_type=jnp.float32)
        mu = jnp.mean(out, axis=-1, keepdims=True)
        d = out - mu
        var = jnp.mean(d * d, axis=-1, keepdims=True)
        normed = d * lax.rsqrt(var + 1e-5)
        o_ref[...] = jnp.maximum(normed * lnw_ref[...] + lnb_ref[...], 0.0)

    return pl.pallas_call(
        body,
        grid=(N_NODES // BLK,),
        in_specs=[
            pl.BlockSpec((NC, BLK, D), lambda i: (0, i, 0)),
            pl.BlockSpec((BLK, NC), lambda i: (i, 0)),
            pl.BlockSpec((BLK, D), lambda i: (i, 0)),
            pl.BlockSpec((D, D), lambda i: (0, 0)),
            pl.BlockSpec((D, D), lambda i: (0, 0)),
            pl.BlockSpec((1, D), lambda i: (0, 0)),
            pl.BlockSpec((1, D), lambda i: (0, 0)),
        ],
        out_specs=pl.BlockSpec((BLK, D), lambda i: (i, 0)),
        out_shape=jax.ShapeDtypeStruct((N_NODES, D), jnp.float32),
    )(psum, cnt2, features, W_relT, W_rootT, ln_w2, ln_b2)


def kernel(features, edges, W_rel, W_root, ln_w, ln_b):
    edges1d = jnp.concatenate(
        [edges.astype(jnp.int32).reshape(-1),
         jnp.zeros((E_FLAT - 2 * N_EDGES,), jnp.int32)])
    psum, pcnt = _sc_aggregate(features, edges1d)
    cnt2 = jnp.stack([pcnt[0, :N_NODES], pcnt[1, :N_NODES]], axis=-1)
    return _tc_finish(psum, cnt2, features, W_rel.T, W_root.T,
                      ln_w.reshape(1, D), ln_b.reshape(1, D))

# --- scband reference (transcript-rebuilt; emitter-appended) ---
"""Pipeline reference for scband-graph-conv-block-82008105549931 (READ-ONLY COPY).

The authoritative reference and input builder live on the scoring server;
editing this copy changes nothing except your own understanding.
"""

import jax, jax.numpy as jnp
import numpy as np

N_NODES = 10000
N_EDGES = 320000
D_IN = 128
D_OUT = 128


def setup_inputs(seed: int = 0) -> dict:
    key = jax.random.key(seed)
    k1, k2, k3, k4 = jax.random.split(key, 4)
    features = jax.random.normal(k1, (N_NODES, D_IN), dtype=jnp.float32)
    edges = jax.random.randint(k2, (2, N_EDGES), 0, N_NODES, dtype=jnp.int64)
    # GraphConv (PyG-style): out = lin_root(x) + lin_rel(mean_aggr(x_j)), bias=False
    scale = 1.0 / np.sqrt(D_IN)
    W_rel = jax.random.uniform(k3, (D_OUT, D_IN), dtype=jnp.float32, minval=-scale, maxval=scale)
    W_root = jax.random.uniform(k4, (D_OUT, D_IN), dtype=jnp.float32, minval=-scale, maxval=scale)
    ln_w = jnp.ones((D_OUT,), dtype=jnp.float32)
    ln_b = jnp.zeros((D_OUT,), dtype=jnp.float32)
    return {"features": features, "edges": edges, "W_rel": W_rel, "W_root": W_root, "ln_w": ln_w, "ln_b": ln_b}


def reference(features, edges, W_rel, W_root, ln_w, ln_b):
    src = edges[0]
    dst = edges[1]
    n = features.shape[0]
    # gather messages from source nodes
    msgs = jnp.take(features, src, axis=0)
    # mean aggregation at destination nodes
    summed = jax.ops.segment_sum(msgs, dst, num_segments=n)
    counts = jax.ops.segment_sum(jnp.ones((msgs.shape[0],), dtype=features.dtype), dst, num_segments=n)
    mean_aggr = summed / jnp.maximum(counts, 1.0)[:, None]
    # GraphConv linear transforms (no bias)
    out = mean_aggr @ W_rel.T + features @ W_root.T
    # LayerNorm
    mu = jnp.mean(out, axis=-1, keepdims=True)
    var = jnp.var(out, axis=-1, keepdims=True)
    normed = (out - mu) / jnp.sqrt(var + 1e-5)
    out = normed * ln_w + ln_b
    # ReLU
    return jax.nn.relu(out)

if __name__ == "__main__":
    import jax
    _d = setup_inputs()
    print(jax.jit(kernel)(*tuple(_d.values())))

</pallas_src>

<mosaic_0001>
#map = affine_map<(d0, d1) -> (0, 0)>
#map1 = affine_map<(d0, d1) -> (0)>
#map2 = affine_map<(d0, d1) -> (0, 0, 0)>
module attributes {stable_mosaic.version = 14 : i64} {
  func.func @agg(%arg0: i32, %arg1: i32, %arg2: memref<10000x128xf32, #tpu.memory_space<hbm>>, %arg3: memref<640128xi32, #tpu.memory_space<hbm>>, %arg4: memref<2x10000x128xf32, #tpu.memory_space<hbm>>, %arg5: memref<2x10240xf32, #tpu.memory_space<hbm>>, %arg6: memref<10112xi32, #tpu.memory_space<vmem>>, %arg7: memref<10112xi32, #tpu.memory_space<vmem>>, %arg8: memref<2x80x128xf32, #tpu.memory_space<vmem>>, %arg9: memref<128xf32, #tpu.memory_space<vmem>>, %arg10: memref<10240x128xf32, #tpu.memory_space<vmem_shared>>, %arg11: memref<10240xf32, #tpu.memory_space<vmem_shared>>, %arg12: memref<!tpu.dma_semaphore, #tpu.memory_space<semaphore_mem>>, %arg13: memref<!tpu.dma_semaphore, #tpu.memory_space<semaphore_mem>>, %arg14: memref<!tpu.dma_semaphore, #tpu.memory_space<semaphore_mem>>) attributes {dimension_semantics = [#tpu.dimension_semantics<core_parallel>, #tpu.dimension_semantics<subcore_parallel>], iteration_bounds = array<i64: 2, 16>, scalar_prefetch = 0 : i64, scratch_operands = 9 : i64, tpu.core_type = #tpu.core_type<sc_vector_subcore>, window_params = [{transform_indices = #map}, {transform_indices = #map1}, {transform_indices = #map2}, {transform_indices = #map}]} {
    %mul3A = arith.constant 16 : i32
    %mul3A_0 = arith.muli %arg0, %mul3A : i32
    %add3A = arith.addi %mul3A_0, %arg1 : i32
    %mul3A_1 = arith.constant 640 : i32
    %mul3A_2 = arith.muli %arg1, %mul3A_1 : i32
    %scan3A = arith.constant 0 : i32
    %scan3A_3 = arith.constant 0 : i32
    %scan3A_4 = arith.constant 0 : i32
    %scan3A_5 = arith.constant 640 : i32
    %scan3A_6 = arith.addi %scan3A_4, %scan3A_5 : i32
    %scan3A_7 = arith.constant 1 : i32
    scf.for %scan3A_285 = %scan3A_4 to %scan3A_6 step %scan3A_7  : i32 {
      %jit3A = arith.constant 8 : i32
      %div3A = arith.divsi %scan3A_285, %jit3A : i32
      %sign3A = arith.constant 0 : i32
      %sign3A_286 = arith.cmpi sgt, %scan3A_285, %sign3A : i32
      %sign3A_287 = arith.extui %sign3A_286 : i1 to i32
      %sign3A_288 = arith.constant 0 : i32
      %sign3A_289 = arith.cmpi slt, %scan3A_285, %sign3A_288 : i32
      %sign3A_290 = arith.extui %sign3A_289 : i1 to i32
      %sign3A_291 = arith.subi %sign3A_287, %sign3A_290 : i32
      %sign3A_292 = arith.constant 0 : i32
      %sign3A_293 = arith.cmpi sgt, %jit3A, %sign3A_292 : i32
      %sign3A_294 = arith.extui %sign3A_293 : i1 to i32
      %sign3A_295 = arith.constant 0 : i32
      %sign3A_296 = arith.cmpi slt, %jit3A, %sign3A_295 : i32
      %sign3A_297 = arith.extui %sign3A_296 : i1 to i32
      %sign3A_298 = arith.subi %sign3A_294, %sign3A_297 : i32
      %ne3A = arith.cmpi ne, %sign3A_291, %sign3A_298 : i32
      %rem3A = arith.remsi %scan3A_285, %jit3A : i32
      %ne3A_299 = arith.constant 0 : i32
      %ne3A_300 = arith.cmpi ne, %rem3A, %ne3A_299 : i32
      %and3A = arith.andi %ne3A, %ne3A_300 : i1
      %sub3A = arith.constant 1 : i32
      %sub3A_301 = arith.subi %div3A, %sub3A : i32
      %select_n3A = arith.select %and3A, %sub3A_301, %div3A : i32
      %jit3A_302 = arith.constant 8 : i32
      %eq3A = arith.constant 0 : i32
      %eq3A_303 = arith.cmpi eq, %jit3A_302, %eq3A : i32
      %jit3A_304 = arith.constant 1 : i32
      %select_n3A_305 = arith.select %eq3A_303, %jit3A_304, %jit3A_302 : i32
      %rem3A_306 = arith.remsi %scan3A_285, %select_n3A_305 : i32
      %ne3A_307 = arith.constant 0 : i32
      %ne3A_308 = arith.cmpi ne, %rem3A_306, %ne3A_307 : i32
      %lt3A = arith.constant 0 : i32
      %lt3A_309 = arith.cmpi slt, %rem3A_306, %lt3A : i32
      %lt3A_310 = arith.constant 0 : i32
      %lt3A_311 = arith.cmpi slt, %select_n3A_305, %lt3A_310 : i32
      %ne3A_312 = arith.xori %lt3A_309, %lt3A_311 : i1
      %and3A_313 = arith.andi %ne3A_312, %ne3A_308 : i1
      %add3A_314 = arith.addi %rem3A_306, %select_n3A_305 : i32
      %select_n3A_315 = arith.select %and3A_313, %add3A_314, %rem3A_306 : i32
      %broadcast_in_dim3A = arith.constant 0.000000e+00 : f32
      %broadcast_in_dim3A_316 = vector.broadcast %broadcast_in_dim3A : f32 to vector<16xf32>
      %mul3A_317 = arith.constant 16 : i32
      %mul3A_318 = arith.muli %select_n3A_315, %mul3A_317 : i32
      %swap3A = arith.constant 0 : i32
      %swap3A_319 = arith.constant 0 : i32
      %swap3A_320 = tpu.memref_slice %arg8[%scan3A_3, %swap3A, %swap3A_319] : memref<2x80x128xf32, #tpu.memory_space<vmem>> -> memref<1x80x128xf32, #tpu.memory_space<vmem>>
      %swap3A_321 = tpu.memref_squeeze %swap3A_320 : memref<1x80x128xf32, #tpu.memory_space<vmem>> -> memref<80x128xf32, #tpu.memory_space<vmem>>
      %swap3A_322 = arith.index_cast %select_n3A : i32 to index
      %swap3A_323 = arith.index_cast %mul3A_318 : i32 to index
      %swap3A_324 = tpu.vector_load %swap3A_321[%swap3A_322, %swap3A_323] {strides = array<i32>} : memref<80x128xf32, #tpu.memory_space<vmem>>, vector<1x16xf32>,
      %swap3A_325 = vector.shape_cast %swap3A_324 : vector<1x16xf32> to vector<16xf32>
      %swap3A_326 = vector.shape_cast %broadcast_in_dim3A_316 : vector<16xf32> to vector<1x16xf32>
      tpu.vector_store %swap3A_321[%swap3A_322, %swap3A_323], %swap3A_326 {strides = array<i32>} : memref<80x128xf32, #tpu.memory_space<vmem>>, vector<1x16xf32>,
    }
    %scan3A_8 = arith.constant 640 : i32
    %add3A_9 = arith.constant 0 : i32
    %add3A_10 = arith.addi %mul3A_2, %add3A_9 : i32
    %run_scoped3A = arith.constant 0 : i32
    "tpu.region"() ({
      %run_scoped3A_285 = tpu.sem_alloc : memref<!tpu.dma_semaphore, #tpu.memory_space<semaphore_mem>>
      %dma_start3A_286 = arith.constant 0 : i32
      %dma_start3A_287 = arith.constant 0 : i32
      %dma_start3A_288 = tpu.memref_slice %arg8[%run_scoped3A, %dma_start3A_286, %dma_start3A_287] : memref<2x80x128xf32, #tpu.memory_space<vmem>> -> memref<1x80x128xf32, #tpu.memory_space<vmem>>
      %dma_start3A_289 = tpu.memref_squeeze %dma_start3A_288 : memref<1x80x128xf32, #tpu.memory_space<vmem>> -> memref<80x128xf32, #tpu.memory_space<vmem>>
      %dma_start3A_290 = arith.constant 0 : i32
      %dma_start3A_291 = tpu.memref_slice %arg10[%add3A_10, %dma_start3A_290] : memref<10240x128xf32, #tpu.memory_space<vmem_shared>> -> memref<80x128xf32, #tpu.memory_space<vmem_shared>>
      %dma_start3A_292 = arith.constant 0 : i32
      %dma_start3A_293 = tpu.memref_slice %arg10[%add3A_10, %dma_start3A_292] : memref<10240x128xf32, #tpu.memory_space<vmem_shared>> -> memref<80x128xf32, #tpu.memory_space<vmem_shared>>
      %dma_start3A_294 = arith.constant 0 : i32
      %dma_start3A_295 = arith.constant 0 : i32
      %dma_start3A_296 = tpu.memref_slice %arg8[%run_scoped3A, %dma_start3A_294, %dma_start3A_295] : memref<2x80x128xf32, #tpu.memory_space<vmem>> -> memref<1x80x128xf32, #tpu.memory_space<vmem>>
      %dma_start3A_297 = tpu.memref_squeeze %dma_start3A_296 : memref<1x80x128xf32, #tpu.memory_space<vmem>> -> memref<80x128xf32, #tpu.memory_space<vmem>>
      tpu.enqueue_dma source(%dma_start3A_297 : memref<80x128xf32, #tpu.memory_space<vmem>>) target(%dma_start3A_293 : memref<80x128xf32, #tpu.memory_space<vmem_shared>>) target_semaphore(%run_scoped3A_285 : memref<!tpu.dma_semaphore, #tpu.memory_space<semaphore_mem>>)
      %dma_wait3A_298 = arith.constant 0 : i32
      %dma_wait3A_299 = arith.constant 0 : i32
      %dma_wait3A_300 = tpu.memref_slice %arg8[%run_scoped3A, %dma_wait3A_298, %dma_wait3A_299] : memref<2x80x128xf32, #tpu.memory_space<vmem>> -> memref<1x80x128xf32, #tpu.memory_space<vmem>>
      %dma_wait3A_301 = tpu.memref_squeeze %dma_wait3A_300 : memref<1x80x128xf32, #tpu.memory_space<vmem>> -> memref<80x128xf32, #tpu.memory_space<vmem>>
      %dma_wait3A_302 = arith.constant 0 : i32
      %dma_wait3A_303 = tpu.memref_slice %arg10[%add3A_10, %dma_wait3A_302] : memref<10240x128xf32, #tpu.memory_space<vmem_shared>> -> memref<80x128xf32, #tpu.memory_space<vmem_shared>>
      %dma_wait3A_304 = arith.constant 0 : i32
      %dma_wait3A_305 = tpu.memref_slice %arg10[%add3A_10, %dma_wait3A_304] : memref<10240x128xf32, #tpu.memory_space<vmem_shared>> -> memref<80x128xf32, #tpu.memory_space<vmem_shared>>
      %dma_wait3A_306 = arith.constant 0 : i32
      %dma_wait3A_307 = arith.constant 0 : i32
      %dma_wait3A_308 = tpu.memref_slice %arg8[%run_scoped3A, %dma_wait3A_306, %dma_wait3A_307] : memref<2x80x128xf32, #tpu.memory_space<vmem>> -> memref<1x80x128xf32, #tpu.memory_space<vmem>>
      %dma_wait3A_309 = tpu.memref_squeeze %dma_wait3A_308 : memref<1x80x128xf32, #tpu.memory_space<vmem>> -> memref<80x128xf32, #tpu.memory_space<vmem>>
      tpu.wait_dma2 semaphore(%run_scoped3A_285 : memref<!tpu.dma_semaphore, #tpu.memory_space<semaphore_mem>>) src(%dma_wait3A_309 : memref<80x128xf32, #tpu.memory_space<vmem>>) dst(%dma_wait3A_305 : memref<80x128xf32, #tpu.memory_space<vmem_shared>>)
      tpu.yield
    }) : () -> ()
    %add3A_11 = arith.constant 80 : i32
    %add3A_12 = arith.addi %mul3A_2, %add3A_11 : i32
    %run_scoped3A_13 = arith.constant 0 : i32
    "tpu.region"() ({
      %run_scoped3A_285 = tpu.sem_alloc : memref<!tpu.dma_semaphore, #tpu.memory_space<semaphore_mem>>
      %dma_start3A_286 = arith.constant 0 : i32
      %dma_start3A_287 = arith.constant 0 : i32
      %dma_start3A_288 = tpu.memref_slice %arg8[%run_scoped3A_13, %dma_start3A_286, %dma_start3A_287] : memref<2x80x128xf32, #tpu.memory_space<vmem>> -> memref<1x80x128xf32, #tpu.memory_space<vmem>>
      %dma_start3A_289 = tpu.memref_squeeze %dma_start3A_288 : memref<1x80x128xf32, #tpu.memory_space<vmem>> -> memref<80x128xf32, #tpu.memory_space<vmem>>
      %dma_start3A_290 = arith.constant 0 : i32
      %dma_start3A_291 = tpu.memref_slice %arg10[%add3A_12, %dma_start3A_290] : memref<10240x128xf32, #tpu.memory_space<vmem_shared>> -> memref<80x128xf32, #tpu.memory_space<vmem_shared>>
      %dma_start3A_292 = arith.constant 0 : i32
      %dma_start3A_293 = tpu.memref_slice %arg10[%add3A_12, %dma_start3A_292] : memref<10240x128xf32, #tpu.memory_space<vmem_shared>> -> memref<80x128xf32, #tpu.memory_space<vmem_shared>>
      %dma_start3A_294 = arith.constant 0 : i32
      %dma_start3A_295 = arith.constant 0 : i32
      %dma_start3A_296 = tpu.memref_slice %arg8[%run_scoped3A_13, %dma_start3A_294, %dma_start3A_295] : memref<2x80x128xf32, #tpu.memory_space<vmem>> -> memref<1x80x128xf32, #tpu.memory_space<vmem>>
      %dma_start3A_297 = tpu.memref_squeeze %dma_start3A_296 : memref<1x80x128xf32, #tpu.memory_space<vmem>> -> memref<80x128xf32, #tpu.memory_space<vmem>>
      tpu.enqueue_dma source(%dma_start3A_297 : memref<80x128xf32, #tpu.memory_space<vmem>>) target(%dma_start3A_293 : memref<80x128xf32, #tpu.memory_space<vmem_shared>>) target_semaphore(%run_scoped3A_285 : memref<!tpu.dma_semaphore, #tpu.memory_space<semaphore_mem>>)
      %dma_wait3A_298 = arith.constant 0 : i32
      %dma_wait3A_299 = arith.constant 0 : i32
      %dma_wait3A_300 = tpu.memref_slice %arg8[%run_scoped3A_13, %dma_wait3A_298, %dma_wait3A_299] : memref<2x80x128xf32, #tpu.memory_space<vmem>> -> memref<1x80x128xf32, #tpu.memory_space<vmem>>
      %dma_wait3A_301 = tpu.memref_squeeze %dma_wait3A_300 : memref<1x80x128xf32, #tpu.memory_space<vmem>> -> memref<80x128xf32, #tpu.memory_space<vmem>>
      %dma_wait3A_302 = arith.constant 0 : i32
      %dma_wait3A_303 = tpu.memref_slice %arg10[%add3A_12, %dma_wait3A_302] : memref<10240x128xf32, #tpu.memory_space<vmem_shared>> -> memref<80x128xf32, #tpu.memory_space<vmem_shared>>
      %dma_wait3A_304 = arith.constant 0 : i32
      %dma_wait3A_305 = tpu.memref_slice %arg10[%add3A_12, %dma_wait3A_304] : memref<10240x128xf32, #tpu.memory_space<vmem_shared>> -> memref<80x128xf32, #tpu.memory_space<vmem_shared>>
      %dma_wait3A_306 = arith.constant 0 : i32
      %dma_wait3A_307 = arith.constant 0 : i32
      %dma_wait3A_308 = tpu.memref_slice %arg8[%run_scoped3A_13, %dma_wait3A_306, %dma_wait3A_307] : memref<2x80x128xf32, #tpu.memory_space<vmem>> -> memref<1x80x128xf32, #tpu.memory_space<vmem>>
      %dma_wait3A_309 = tpu.memref_squeeze %dma_wait3A_308 : memref<1x80x128xf32, #tpu.memory_space<vmem>> -> memref<80x128xf32, #tpu.memory_space<vmem>>
      tpu.wait_dma2 semaphore(%run_scoped3A_285 : memref<!tpu.dma_semaphore, #tpu.memory_space<semaphore_mem>>) src(%dma_wait3A_309 : memref<80x128xf32, #tpu.memory_space<vmem>>) dst(%dma_wait3A_305 : memref<80x128xf32, #tpu.memory_space<vmem_shared>>)
      tpu.yield
    }) : () -> ()
    %add3A_14 = arith.constant 160 : i32
    %add3A_15 = arith.addi %mul3A_2, %add3A_14 : i32
    %run_scoped3A_16 = arith.constant 0 : i32
    "tpu.region"() ({
      %run_scoped3A_285 = tpu.sem_alloc : memref<!tpu.dma_semaphore, #tpu.memory_space<semaphore_mem>>
      %dma_start3A_286 = arith.constant 0 : i32
      %dma_start3A_287 = arith.constant 0 : i32
      %dma_start3A_288 = tpu.memref_slice %arg8[%run_scoped3A_16, %dma_start3A_286, %dma_start3A_287] : memref<2x80x128xf32, #tpu.memory_space<vmem>> -> memref<1x80x128xf32, #tpu.memory_space<vmem>>
      %dma_start3A_289 = tpu.memref_squeeze %dma_start3A_288 : memref<1x80x128xf32, #tpu.memory_space<vmem>> -> memref<80x128xf32, #tpu.memory_space<vmem>>
      %dma_start3A_290 = arith.constant 0 : i32
      %dma_start3A_291 = tpu.memref_slice %arg10[%add3A_15, %dma_start3A_290] : memref<10240x128xf32, #tpu.memory_space<vmem_shared>> -> memref<80x128xf32, #tpu.memory_space<vmem_shared>>
      %dma_start3A_292 = arith.constant 0 : i32
      %dma_start3A_293 = tpu.memref_slice %arg10[%add3A_15, %dma_start3A_292] : memref<10240x128xf32, #tpu.memory_space<vmem_shared>> -> memref<80x128xf32, #tpu.memory_space<vmem_shared>>
      %dma_start3A_294 = arith.constant 0 : i32
      %dma_start3A_295 = arith.constant 0 : i32
      %dma_start3A_296 = tpu.memref_slice %arg8[%run_scoped3A_16, %dma_start3A_294, %dma_start3A_295] : memref<2x80x128xf32, #tpu.memory_space<vmem>> -> memref<1x80x128xf32, #tpu.memory_space<vmem>>
      %dma_start3A_297 = tpu.memref_squeeze %dma_start3A_296 : memref<1x80x128xf32, #tpu.memory_space<vmem>> -> memref<80x128xf32, #tpu.memory_space<vmem>>
      tpu.enqueue_dma source(%dma_start3A_297 : memref<80x128xf32, #tpu.memory_space<vmem>>) target(%dma_start3A_293 : memref<80x128xf32, #tpu.memory_space<vmem_shared>>) target_semaphore(%run_scoped3A_285 : memref<!tpu.dma_semaphore, #tpu.memory_space<semaphore_mem>>)
      %dma_wait3A_298 = arith.constant 0 : i32
      %dma_wait3A_299 = arith.constant 0 : i32
      %dma_wait3A_300 = tpu.memref_slice %arg8[%run_scoped3A_16, %dma_wait3A_298, %dma_wait3A_299] : memref<2x80x128xf32, #tpu.memory_space<vmem>> -> memref<1x80x128xf32, #tpu.memory_space<vmem>>
      %dma_wait3A_301 = tpu.memref_squeeze %dma_wait3A_300 : memref<1x80x128xf32, #tpu.memory_space<vmem>> -> memref<80x128xf32, #tpu.memory_space<vmem>>
      %dma_wait3A_302 = arith.constant 0 : i32
      %dma_wait3A_303 = tpu.memref_slice %arg10[%add3A_15, %dma_wait3A_302] : memref<10240x128xf32, #tpu.memory_space<vmem_shared>> -> memref<80x128xf32, #tpu.memory_space<vmem_shared>>
      %dma_wait3A_304 = arith.constant 0 : i32
      %dma_wait3A_305 = tpu.memref_slice %arg10[%add3A_15, %dma_wait3A_304] : memref<10240x128xf32, #tpu.memory_space<vmem_shared>> -> memref<80x128xf32, #tpu.memory_space<vmem_shared>>
      %dma_wait3A_306 = arith.constant 0 : i32
      %dma_wait3A_307 = arith.constant 0 : i32
      %dma_wait3A_308 = tpu.memref_slice %arg8[%run_scoped3A_16, %dma_wait3A_306, %dma_wait3A_307] : memref<2x80x128xf32, #tpu.memory_space<vmem>> -> memref<1x80x128xf32, #tpu.memory_space<vmem>>
      %dma_wait3A_309 = tpu.memref_squeeze %dma_wait3A_308 : memref<1x80x128xf32, #tpu.memory_space<vmem>> -> memref<80x128xf32, #tpu.memory_space<vmem>>
      tpu.wait_dma2 semaphore(%run_scoped3A_285 : memref<!tpu.dma_semaphore, #tpu.memory_space<semaphore_mem>>) src(%dma_wait3A_309 : memref<80x128xf32, #tpu.memory_space<vmem>>) dst(%dma_wait3A_305 : memref<80x128xf32, #tpu.memory_space<vmem_shared>>)
      tpu.yield
    }) : () -> ()
    %add3A_17 = arith.constant 240 : i32
    %add3A_18 = arith.addi %mul3A_2, %add3A_17 : i32
    %run_scoped3A_19 = arith.constant 0 : i32
    "tpu.region"() ({
      %run_scoped3A_285 = tpu.sem_alloc : memref<!tpu.dma_semaphore, #tpu.memory_space<semaphore_mem>>
      %dma_start3A_286 = arith.constant 0 : i32
      %dma_start3A_287 = arith.constant 0 : i32
      %dma_start3A_288 = tpu.memref_slice %arg8[%run_scoped3A_19, %dma_start3A_286, %dma_start3A_287] : memref<2x80x128xf32, #tpu.memory_space<vmem>> -> memref<1x80x128xf32, #tpu.memory_space<vmem>>
      %dma_start3A_289 = tpu.memref_squeeze %dma_start3A_288 : memref<1x80x128xf32, #tpu.memory_space<vmem>> -> memref<80x128xf32, #tpu.memory_space<vmem>>
      %dma_start3A_290 = arith.constant 0 : i32
      %dma_start3A_291 = tpu.memref_slice %arg10[%add3A_18, %dma_start3A_290] : memref<10240x128xf32, #tpu.memory_space<vmem_shared>> -> memref<80x128xf32, #tpu.memory_space<vmem_shared>>
      %dma_start3A_292 = arith.constant 0 : i32
      %dma_start3A_293 = tpu.memref_slice %arg10[%add3A_18, %dma_start3A_292] : memref<10240x128xf32, #tpu.memory_space<vmem_shared>> -> memref<80x128xf32, #tpu.memory_space<vmem_shared>>
      %dma_start3A_294 = arith.constant 0 : i32
      %dma_start3A_295 = arith.constant 0 : i32
      %dma_start3A_296 = tpu.memref_slice %arg8[%run_scoped3A_19, %dma_start3A_294, %dma_start3A_295] : memref<2x80x128xf32, #tpu.memory_space<vmem>> -> memref<1x80x128xf32, #tpu.memory_space<vmem>>
      %dma_start3A_297 = tpu.memref_squeeze %dma_start3A_296 : memref<1x80x128xf32, #tpu.memory_space<vmem>> -> memref<80x128xf32, #tpu.memory_space<vmem>>
      tpu.enqueue_dma source(%dma_start3A_297 : memref<80x128xf32, #tpu.memory_space<vmem>>) target(%dma_start3A_293 : memref<80x128xf32, #tpu.memory_space<vmem_shared>>) target_semaphore(%run_scoped3A_285 : memref<!tpu.dma_semaphore, #tpu.memory_space<semaphore_mem>>)
      %dma_wait3A_298 = arith.constant 0 : i32
      %dma_wait3A_299 = arith.constant 0 : i32
      %dma_wait3A_300 = tpu.memref_slice %arg8[%run_scoped3A_19, %dma_wait3A_298, %dma_wait3A_299] : memref<2x80x128xf32, #tpu.memory_space<vmem>> -> memref<1x80x128xf32, #tpu.memory_space<vmem>>
      %dma_wait3A_301 = tpu.memref_squeeze %dma_wait3A_300 : memref<1x80x128xf32, #tpu.memory_space<vmem>> -> memref<80x128xf32, #tpu.memory_space<vmem>>
      %dma_wait3A_302 = arith.constant 0 : i32
      %dma_wait3A_303 = tpu.memref_slice %arg10[%add3A_18, %dma_wait3A_302] : memref<10240x128xf32, #tpu.memory_space<vmem_shared>> -> memref<80x128xf32, #tpu.memory_space<vmem_shared>>
      %dma_wait3A_304 = arith.constant 0 : i32
      %dma_wait3A_305 = tpu.memref_slice %arg10[%add3A_18, %dma_wait3A_304] : memref<10240x128xf32, #tpu.memory_space<vmem_shared>> -> memref<80x128xf32, #tpu.memory_space<vmem_shared>>
      %dma_wait3A_306 = arith.constant 0 : i32
      %dma_wait3A_307 = arith.constant 0 : i32
      %dma_wait3A_308 = tpu.memref_slice %arg8[%run_scoped3A_19, %dma_wait3A_306, %dma_wait3A_307] : memref<2x80x128xf32, #tpu.memory_space<vmem>> -> memref<1x80x128xf32, #tpu.memory_space<vmem>>
      %dma_wait3A_309 = tpu.memref_squeeze %dma_wait3A_308 : memref<1x80x128xf32, #tpu.memory_space<vmem>> -> memref<80x128xf32, #tpu.memory_space<vmem>>
      tpu.wait_dma2 semaphore(%run_scoped3A_285 : memref<!tpu.dma_semaphore, #tpu.memory_space<semaphore_mem>>) src(%dma_wait3A_309 : memref<80x128xf32, #tpu.memory_space<vmem>>) dst(%dma_wait3A_305 : memref<80x128xf32, #tpu.memory_space<vmem_shared>>)
      tpu.yield
    }) : () -> ()
    %add3A_20 = arith.constant 320 : i32
    %add3A_21 = arith.addi %mul3A_2, %add3A_20 : i32
    %run_scoped3A_22 = arith.constant 0 : i32
    "tpu.region"() ({
      %run_scoped3A_285 = tpu.sem_alloc : memref<!tpu.dma_semaphore, #tpu.memory_space<semaphore_mem>>
      %dma_start3A_286 = arith.constant 0 : i32
      %dma_start3A_287 = arith.constant 0 : i32
      %dma_start3A_288 = tpu.memref_slice %arg8[%run_scoped3A_22, %dma_start3A_286, %dma_start3A_287] : memref<2x80x128xf32, #tpu.memory_space<vmem>> -> memref<1x80x128xf32, #tpu.memory_space<vmem>>
      %dma_start3A_289 = tpu.memref_squeeze %dma_start3A_288 : memref<1x80x128xf32, #tpu.memory_space<vmem>> -> memref<80x128xf32, #tpu.memory_space<vmem>>
      %dma_start3A_290 = arith.constant 0 : i32
      %dma_start3A_291 = tpu.memref_slice %arg10[%add3A_21, %dma_start3A_290] : memref<10240x128xf32, #tpu.memory_space<vmem_shared>> -> memref<80x128xf32, #tpu.memory_space<vmem_shared>>
      %dma_start3A_292 = arith.constant 0 : i32
      %dma_start3A_293 = tpu.memref_slice %arg10[%add3A_21, %dma_start3A_292] : memref<10240x128xf32, #tpu.memory_space<vmem_shared>> -> memref<80x128xf32, #tpu.memory_space<vmem_shared>>
      %dma_start3A_294 = arith.constant 0 : i32
      %dma_start3A_295 = arith.constant 0 : i32
      %dma_start3A_296 = tpu.memref_slice %arg8[%run_scoped3A_22, %dma_start3A_294, %dma_start3A_295] : memref<2x80x128xf32, #tpu.memory_space<vmem>> -> memref<1x80x128xf32, #tpu.memory_space<vmem>>
      %dma_start3A_297 = tpu.memref_squeeze %dma_start3A_296 : memref<1x80x128xf32, #tpu.memory_space<vmem>> -> memref<80x128xf32, #tpu.memory_space<vmem>>
      tpu.enqueue_dma source(%dma_start3A_297 : memref<80x128xf32, #tpu.memory_space<vmem>>) target(%dma_start3A_293 : memref<80x128xf32, #tpu.memory_space<vmem_shared>>) target_semaphore(%run_scoped3A_285 : memref<!tpu.dma_semaphore, #tpu.memory_space<semaphore_mem>>)
      %dma_wait3A_298 = arith.constant 0 : i32
      %dma_wait3A_299 = arith.constant 0 : i32
      %dma_wait3A_300 = tpu.memref_slice %arg8[%run_scoped3A_22, %dma_wait3A_298, %dma_wait3A_299] : memref<2x80x128xf32, #tpu.memory_space<vmem>> -> memref<1x80x128xf32, #tpu.memory_space<vmem>>
      %dma_wait3A_301 = tpu.memref_squeeze %dma_wait3A_300 : memref<1x80x128xf32, #tpu.memory_space<vmem>> -> memref<80x128xf32, #tpu.memory_space<vmem>>
      %dma_wait3A_302 = arith.constant 0 : i32
      %dma_wait3A_303 = tpu.memref_slice %arg10[%add3A_21, %dma_wait3A_302] : memref<10240x128xf32, #tpu.memory_space<vmem_shared>> -> memref<80x128xf32, #tpu.memory_space<vmem_shared>>
      %dma_wait3A_304 = arith.constant 0 : i32
      %dma_wait3A_305 = tpu.memref_slice %arg10[%add3A_21, %dma_wait3A_304] : memref<10240x128xf32, #tpu.memory_space<vmem_shared>> -> memref<80x128xf32, #tpu.memory_space<vmem_shared>>
      %dma_wait3A_306 = arith.constant 0 : i32
      %dma_wait3A_307 = arith.constant 0 : i32
      %dma_wait3A_308 = tpu.memref_slice %arg8[%run_scoped3A_22, %dma_wait3A_306, %dma_wait3A_307] : memref<2x80x128xf32, #tpu.memory_space<vmem>> -> memref<1x80x128xf32, #tpu.memory_space<vmem>>
      %dma_wait3A_309 = tpu.memref_squeeze %dma_wait3A_308 : memref<1x80x128xf32, #tpu.memory_space<vmem>> -> memref<80x128xf32, #tpu.memory_space<vmem>>
      tpu.wait_dma2 semaphore(%run_scoped3A_285 : memref<!tpu.dma_semaphore, #tpu.memory_space<semaphore_mem>>) src(%dma_wait3A_309 : memref<80x128xf32, #tpu.memory_space<vmem>>) dst(%dma_wait3A_305 : memref<80x128xf32, #tpu.memory_space<vmem_shared>>)
      tpu.yield
    }) : () -> ()
    %add3A_23 = arith.constant 400 : i32
    %add3A_24 = arith.addi %mul3A_2, %add3A_23 : i32
    %run_scoped3A_25 = arith.constant 0 : i32
    "tpu.region"() ({
      %run_scoped3A_285 = tpu.sem_alloc : memref<!tpu.dma_semaphore, #tpu.memory_space<semaphore_mem>>
      %dma_start3A_286 = arith.constant 0 : i32
      %dma_start3A_287 = arith.constant 0 : i32
      %dma_start3A_288 = tpu.memref_slice %arg8[%run_scoped3A_25, %dma_start3A_286, %dma_start3A_287] : memref<2x80x128xf32, #tpu.memory_space<vmem>> -> memref<1x80x128xf32, #tpu.memory_space<vmem>>
      %dma_start3A_289 = tpu.memref_squeeze %dma_start3A_288 : memref<1x80x128xf32, #tpu.memory_space<vmem>> -> memref<80x128xf32, #tpu.memory_space<vmem>>
      %dma_start3A_290 = arith.constant 0 : i32
      %dma_start3A_291 = tpu.memref_slice %arg10[%add3A_24, %dma_start3A_290] : memref<10240x128xf32, #tpu.memory_space<vmem_shared>> -> memref<80x128xf32, #tpu.memory_space<vmem_shared>>
      %dma_start3A_292 = arith.constant 0 : i32
      %dma_start3A_293 = tpu.memref_slice %arg10[%add3A_24, %dma_start3A_292] : memref<10240x128xf32, #tpu.memory_space<vmem_shared>> -> memref<80x128xf32, #tpu.memory_space<vmem_shared>>
      %dma_start3A_294 = arith.constant 0 : i32
      %dma_start3A_295 = arith.constant 0 : i32
      %dma_start3A_296 = tpu.memref_slice %arg8[%run_scoped3A_25, %dma_start3A_294, %dma_start3A_295] : memref<2x80x128xf32, #tpu.memory_space<vmem>> -> memref<1x80x128xf32, #tpu.memory_space<vmem>>
      %dma_start3A_297 = tpu.memref_squeeze %dma_start3A_296 : memref<1x80x128xf32, #tpu.memory_space<vmem>> -> memref<80x128xf32, #tpu.memory_space<vmem>>
      tpu.enqueue_dma source(%dma_start3A_297 : memref<80x128xf32, #tpu.memory_space<vmem>>) target(%dma_start3A_293 : memref<80x128xf32, #tpu.memory_space<vmem_shared>>) target_semaphore(%run_scoped3A_285 : memref<!tpu.dma_semaphore, #tpu.memory_space<semaphore_mem>>)
      %dma_wait3A_298 = arith.constant 0 : i32
      %dma_wait3A_299 = arith.constant 0 : i32
      %dma_wait3A_300 = tpu.memref_slice %arg8[%run_scoped3A_25, %dma_wait3A_298, %dma_wait3A_299] : memref<2x80x128xf32, #tpu.memory_space<vmem>> -> memref<1x80x128xf32, #tpu.memory_space<vmem>>
      %dma_wait3A_301 = tpu.memref_squeeze %dma_wait3A_300 : memref<1x80x128xf32, #tpu.memory_space<vmem>> -> memref<80x128xf32, #tpu.memory_space<vmem>>
      %dma_wait3A_302 = arith.constant 0 : i32
      %dma_wait3A_303 = tpu.memref_slice %arg10[%add3A_24, %dma_wait3A_302] : memref<10240x128xf32, #tpu.memory_space<vmem_shared>> -> memref<80x128xf32, #tpu.memory_space<vmem_shared>>
      %dma_wait3A_304 = arith.constant 0 : i32
      %dma_wait3A_305 = tpu.memref_slice %arg10[%add3A_24, %dma_wait3A_304] : memref<10240x128xf32, #tpu.memory_space<vmem_shared>> -> memref<80x128xf32, #tpu.memory_space<vmem_shared>>
      %dma_wait3A_306 = arith.constant 0 : i32
      %dma_wait3A_307 = arith.constant 0 : i32
      %dma_wait3A_308 = tpu.memref_slice %arg8[%run_scoped3A_25, %dma_wait3A_306, %dma_wait3A_307] : memref<2x80x128xf32, #tpu.memory_space<vmem>> -> memref<1x80x128xf32, #tpu.memory_space<vmem>>
      %dma_wait3A_309 = tpu.memref_squeeze %dma_wait3A_308 : memref<1x80x128xf32, #tpu.memory_space<vmem>> -> memref<80x128xf32, #tpu.memory_space<vmem>>
      tpu.wait_dma2 semaphore(%run_scoped3A_285 : memref<!tpu.dma_semaphore, #tpu.memory_space<semaphore_mem>>) src(%dma_wait3A_309 : memref<80x128xf32, #tpu.memory_space<vmem>>) dst(%dma_wait3A_305 : memref<80x128xf32, #tpu.memory_space<vmem_shared>>)
      tpu.yield
    }) : () -> ()
    %add3A_26 = arith.constant 480 : i32
    %add3A_27 = arith.addi %mul3A_2, %add3A_26 : i32
    %run_scoped3A_28 = arith.constant 0 : i32
    "tpu.region"() ({
      %run_scoped3A_285 = tpu.sem_alloc : memref<!tpu.dma_semaphore, #tpu.memory_space<semaphore_mem>>
      %dma_start3A_286 = arith.constant 0 : i32
      %dma_start3A_287 = arith.constant 0 : i32
      %dma_start3A_288 = tpu.memref_slice %arg8[%run_scoped3A_28, %dma_start3A_286, %dma_start3A_287] : memref<2x80x128xf32, #tpu.memory_space<vmem>> -> memref<1x80x128xf32, #tpu.memory_space<vmem>>
      %dma_start3A_289 = tpu.memref_squeeze %dma_start3A_288 : memref<1x80x128xf32, #tpu.memory_space<vmem>> -> memref<80x128xf32, #tpu.memory_space<vmem>>
      %dma_start3A_290 = arith.constant 0 : i32
      %dma_start3A_291 = tpu.memref_slice %arg10[%add3A_27, %dma_start3A_290] : memref<10240x128xf32, #tpu.memory_space<vmem_shared>> -> memref<80x128xf32, #tpu.memory_space<vmem_shared>>
      %dma_start3A_292 = arith.constant 0 : i32
      %dma_start3A_293 = tpu.memref_slice %arg10[%add3A_27, %dma_start3A_292] : memref<10240x128xf32, #tpu.memory_space<vmem_shared>> -> memref<80x128xf32, #tpu.memory_space<vmem_shared>>
      %dma_start3A_294 = arith.constant 0 : i32
      %dma_start3A_295 = arith.constant 0 : i32
      %dma_start3A_296 = tpu.memref_slice %arg8[%run_scoped3A_28, %dma_start3A_294, %dma_start3A_295] : memref<2x80x128xf32, #tpu.memory_space<vmem>> -> memref<1x80x128xf32, #tpu.memory_space<vmem>>
      %dma_start3A_297 = tpu.memref_squeeze %dma_start3A_296 : memref<1x80x128xf32, #tpu.memory_space<vmem>> -> memref<80x128xf32, #tpu.memory_space<vmem>>
      tpu.enqueue_dma source(%dma_start3A_297 : memref<80x128xf32, #tpu.memory_space<vmem>>) target(%dma_start3A_293 : memref<80x128xf32, #tpu.memory_space<vmem_shared>>) target_semaphore(%run_scoped3A_285 : memref<!tpu.dma_semaphore, #tpu.memory_space<semaphore_mem>>)
      %dma_wait3A_298 = arith.constant 0 : i32
      %dma_wait3A_299 = arith.constant 0 : i32
      %dma_wait3A_300 = tpu.memref_slice %arg8[%run_scoped3A_28, %dma_wait3A_298, %dma_wait3A_299] : memref<2x80x128xf32, #tpu.memory_space<vmem>> -> memref<1x80x128xf32, #tpu.memory_space<vmem>>
      %dma_wait3A_301 = tpu.memref_squeeze %dma_wait3A_300 : memref<1x80x128xf32, #tpu.memory_space<vmem>> -> memref<80x128xf32, #tpu.memory_space<vmem>>
      %dma_wait3A_302 = arith.constant 0 : i32
      %dma_wait3A_303 = tpu.memref_slice %arg10[%add3A_27, %dma_wait3A_302] : memref<10240x128xf32, #tpu.memory_space<vmem_shared>> -> memref<80x128xf32, #tpu.memory_space<vmem_shared>>
      %dma_wait3A_304 = arith.constant 0 : i32
      %dma_wait3A_305 = tpu.memref_slice %arg10[%add3A_27, %dma_wait3A_304] : memref<10240x128xf32, #tpu.memory_space<vmem_shared>> -> memref<80x128xf32, #tpu.memory_space<vmem_shared>>
      %dma_wait3A_306 = arith.constant 0 : i32
      %dma_wait3A_307 = arith.constant 0 : i32
      %dma_wait3A_308 = tpu.memref_slice %arg8[%run_scoped3A_28, %dma_wait3A_306, %dma_wait3A_307] : memref<2x80x128xf32, #tpu.memory_space<vmem>> -> memref<1x80x128xf32, #tpu.memory_space<vmem>>
      %dma_wait3A_309 = tpu.memref_squeeze %dma_wait3A_308 : memref<1x80x128xf32, #tpu.memory_space<vmem>> -> memref<80x128xf32, #tpu.memory_space<vmem>>
      tpu.wait_dma2 semaphore(%run_scoped3A_285 : memref<!tpu.dma_semaphore, #tpu.memory_space<semaphore_mem>>) src(%dma_wait3A_309 : memref<80x128xf32, #tpu.memory_space<vmem>>) dst(%dma_wait3A_305 : memref<80x128xf32, #tpu.memory_space<vmem_shared>>)
      tpu.yield
    }) : () -> ()
    %add3A_29 = arith.constant 560 : i32
    %add3A_30 = arith.addi %mul3A_2, %add3A_29 : i32
    %run_scoped3A_31 = arith.constant 0 : i32
    "tpu.region"() ({
      %run_scoped3A_285 = tpu.sem_alloc : memref<!tpu.dma_semaphore, #tpu.memory_space<semaphore_mem>>
      %dma_start3A_286 = arith.constant 0 : i32
      %dma_start3A_287 = arith.constant 0 : i32
      %dma_start3A_288 = tpu.memref_slice %arg8[%run_scoped3A_31, %dma_start3A_286, %dma_start3A_287] : memref<2x80x128xf32, #tpu.memory_space<vmem>> -> memref<1x80x128xf32, #tpu.memory_space<vmem>>
      %dma_start3A_289 = tpu.memref_squeeze %dma_start3A_288 : memref<1x80x128xf32, #tpu.memory_space<vmem>> -> memref<80x128xf32, #tpu.memory_space<vmem>>
      %dma_start3A_290 = arith.constant 0 : i32
      %dma_start3A_291 = tpu.memref_slice %arg10[%add3A_30, %dma_start3A_290] : memref<10240x128xf32, #tpu.memory_space<vmem_shared>> -> memref<80x128xf32, #tpu.memory_space<vmem_shared>>
      %dma_start3A_292 = arith.constant 0 : i32
      %dma_start3A_293 = tpu.memref_slice %arg10[%add3A_30, %dma_start3A_292] : memref<10240x128xf32, #tpu.memory_space<vmem_shared>> -> memref<80x128xf32, #tpu.memory_space<vmem_shared>>
      %dma_start3A_294 = arith.constant 0 : i32
      %dma_start3A_295 = arith.constant 0 : i32
      %dma_start3A_296 = tpu.memref_slice %arg8[%run_scoped3A_31, %dma_start3A_294, %dma_start3A_295] : memref<2x80x128xf32, #tpu.memory_space<vmem>> -> memref<1x80x128xf32, #tpu.memory_space<vmem>>
      %dma_start3A_297 = tpu.memref_squeeze %dma_start3A_296 : memref<1x80x128xf32, #tpu.memory_space<vmem>> -> memref<80x128xf32, #tpu.memory_space<vmem>>
      tpu.enqueue_dma source(%dma_start3A_297 : memref<80x128xf32, #tpu.memory_space<vmem>>) target(%dma_start3A_293 : memref<80x128xf32, #tpu.memory_space<vmem_shared>>) target_semaphore(%run_scoped3A_285 : memref<!tpu.dma_semaphore, #tpu.memory_space<semaphore_mem>>)
      %dma_wait3A_298 = arith.constant 0 : i32
      %dma_wait3A_299 = arith.constant 0 : i32
      %dma_wait3A_300 = tpu.memref_slice %arg8[%run_scoped3A_31, %dma_wait3A_298, %dma_wait3A_299] : memref<2x80x128xf32, #tpu.memory_space<vmem>> -> memref<1x80x128xf32, #tpu.memory_space<vmem>>
      %dma_wait3A_301 = tpu.memref_squeeze %dma_wait3A_300 : memref<1x80x128xf32, #tpu.memory_space<vmem>> -> memref<80x128xf32, #tpu.memory_space<vmem>>
      %dma_wait3A_302 = arith.constant 0 : i32
      %dma_wait3A_303 = tpu.memref_slice %arg10[%add3A_30, %dma_wait3A_302] : memref<10240x128xf32, #tpu.memory_space<vmem_shared>> -> memref<80x128xf32, #tpu.memory_space<vmem_shared>>
      %dma_wait3A_304 = arith.constant 0 : i32
      %dma_wait3A_305 = tpu.memref_slice %arg10[%add3A_30, %dma_wait3A_304] : memref<10240x128xf32, #tpu.memory_space<vmem_shared>> -> memref<80x128xf32, #tpu.memory_space<vmem_shared>>
      %dma_wait3A_306 = arith.constant 0 : i32
      %dma_wait3A_307 = arith.constant 0 : i32
      %dma_wait3A_308 = tpu.memref_slice %arg8[%run_scoped3A_31, %dma_wait3A_306, %dma_wait3A_307] : memref<2x80x128xf32, #tpu.memory_space<vmem>> -> memref<1x80x128xf32, #tpu.memory_space<vmem>>
      %dma_wait3A_309 = tpu.memref_squeeze %dma_wait3A_308 : memref<1x80x128xf32, #tpu.memory_space<vmem>> -> memref<80x128xf32, #tpu.memory_space<vmem>>
      tpu.wait_dma2 semaphore(%run_scoped3A_285 : memref<!tpu.dma_semaphore, #tpu.memory_space<semaphore_mem>>) src(%dma_wait3A_309 : memref<80x128xf32, #tpu.memory_space<vmem>>) dst(%dma_wait3A_305 : memref<80x128xf32, #tpu.memory_space<vmem_shared>>)
      tpu.yield
    }) : () -> ()
    %add3A_32 = arith.constant 0 : i32
    %add3A_33 = arith.addi %mul3A_2, %add3A_32 : i32
    %run_scoped3A_34 = arith.constant 0 : i32
    %run_scoped3A_35 = arith.constant 0 : i32
    "tpu.region"() ({
      %run_scoped3A_285 = tpu.sem_alloc : memref<!tpu.dma_semaphore, #tpu.memory_space<semaphore_mem>>
      %dma_start3A_286 = arith.constant 0 : i32
      %dma_start3A_287 = arith.constant 0 : i32
      %dma_start3A_288 = tpu.memref_slice %arg8[%run_scoped3A_34, %dma_start3A_286, %dma_start3A_287] : memref<2x80x128xf32, #tpu.memory_space<vmem>> -> memref<1x80x128xf32, #tpu.memory_space<vmem>>
      %dma_start3A_289 = tpu.memref_squeeze %dma_start3A_288 : memref<1x80x128xf32, #tpu.memory_space<vmem>> -> memref<80x128xf32, #tpu.memory_space<vmem>>
      %dma_start3A_290 = arith.constant 0 : i32
      %dma_start3A_291 = tpu.memref_slice %dma_start3A_289[%run_scoped3A_35, %dma_start3A_290] : memref<80x128xf32, #tpu.memory_space<vmem>> -> memref<1x128xf32, #tpu.memory_space<vmem>>
      %dma_start3A_292 = tpu.memref_squeeze %dma_start3A_291 : memref<1x128xf32, #tpu.memory_space<vmem>> -> memref<128xf32, #tpu.memory_space<vmem>>
      %dma_start3A_293 = tpu.memref_slice %arg11[%add3A_33] : memref<10240xf32, #tpu.memory_space<vmem_shared>> -> memref<128xf32, #tpu.memory_space<vmem_shared>>
      %dma_start3A_294 = tpu.memref_slice %arg11[%add3A_33] : memref<10240xf32, #tpu.memory_space<vmem_shared>> -> memref<128xf32, #tpu.memory_space<vmem_shared>>
      %dma_start3A_295 = arith.constant 0 : i32
      %dma_start3A_296 = arith.constant 0 : i32
      %dma_start3A_297 = tpu.memref_slice %arg8[%run_scoped3A_34, %dma_start3A_295, %dma_start3A_296] : memref<2x80x128xf32, #tpu.memory_space<vmem>> -> memref<1x80x128xf32, #tpu.memory_space<vmem>>
      %dma_start3A_298 = tpu.memref_squeeze %dma_start3A_297 : memref<1x80x128xf32, #tpu.memory_space<vmem>> -> memref<80x128xf32, #tpu.memory_space<vmem>>
      %dma_start3A_299 = arith.constant 0 : i32
      %dma_start3A_300 = tpu.memref_slice %dma_start3A_298[%run_scoped3A_35, %dma_start3A_299] : memref<80x128xf32, #tpu.memory_space<vmem>> -> memref<1x128xf32, #tpu.memory_space<vmem>>
      %dma_start3A_301 = tpu.memref_squeeze %dma_start3A_300 : memref<1x128xf32, #tpu.memory_space<vmem>> -> memref<128xf32, #tpu.memory_space<vmem>>
      tpu.enqueue_dma source(%dma_start3A_301 : memref<128xf32, #tpu.memory_space<vmem>>) target(%dma_start3A_294 : memref<128xf32, #tpu.memory_space<vmem_shared>>) target_semaphore(%run_scoped3A_285 : memref<!tpu.dma_semaphore, #tpu.memory_space<semaphore_mem>>)
      %dma_wait3A_302 = arith.constant 0 : i32
      %dma_wait3A_303 = arith.constant 0 : i32
      %dma_wait3A_304 = tpu.memref_slice %arg8[%run_scoped3A_34, %dma_wait3A_302, %dma_wait3A_303] : memref<2x80x128xf32, #tpu.memory_space<vmem>> -> memref<1x80x128xf32, #tpu.memory_space<vmem>>
      %dma_wait3A_305 = tpu.memref_squeeze %dma_wait3A_304 : memref<1x80x128xf32, #tpu.memory_space<vmem>> -> memref<80x128xf32, #tpu.memory_space<vmem>>
      %dma_wait3A_306 = arith.constant 0 : i32
      %dma_wait3A_307 = tpu.memref_slice %dma_wait3A_305[%run_scoped3A_35, %dma_wait3A_306] : memref<80x128xf32, #tpu.memory_space<vmem>> -> memref<1x128xf32, #tpu.memory_space<vmem>>
      %dma_wait3A_308 = tpu.memref_squeeze %dma_wait3A_307 : memref<1x128xf32, #tpu.memory_space<vmem>> -> memref<128xf32, #tpu.memory_space<vmem>>
      %dma_wait3A_309 = tpu.memref_slice %arg11[%add3A_33] : memref<10240xf32, #tpu.memory_space<vmem_shared>> -> memref<128xf32, #tpu.memory_space<vmem_shared>>
      %dma_wait3A_310 = tpu.memref_slice %arg11[%add3A_33] : memref<10240xf32, #tpu.memory_space<vmem_shared>> -> memref<128xf32, #tpu.memory_space<vmem_shared>>
      %dma_wait3A_311 = arith.constant 0 : i32
      %dma_wait3A_312 = arith.constant 0 : i32
      %dma_wait3A_313 = tpu.memref_slice %arg8[%run_scoped3A_34, %dma_wait3A_311, %dma_wait3A_312] : memref<2x80x128xf32, #tpu.memory_space<vmem>> -> memref<1x80x128xf32, #tpu.memory_space<vmem>>
      %dma_wait3A_314 = tpu.memref_squeeze %dma_wait3A_313 : memref<1x80x128xf32, #tpu.memory_space<vmem>> -> memref<80x128xf32, #tpu.memory_space<vmem>>
      %dma_wait3A_315 = arith.constant 0 : i32
      %dma_wait3A_316 = tpu.memref_slice %dma_wait3A_314[%run_scoped3A_35, %dma_wait3A_315] : memref<80x128xf32, #tpu.memory_space<vmem>> -> memref<1x128xf32, #tpu.memory_space<vmem>>
      %dma_wait3A_317 = tpu.memref_squeeze %dma_wait3A_316 : memref<1x128xf32, #tpu.memory_space<vmem>> -> memref<128xf32, #tpu.memory_space<vmem>>
      tpu.wait_dma2 semaphore(%run_scoped3A_285 : memref<!tpu.dma_semaphore, #tpu.memory_space<semaphore_mem>>) src(%dma_wait3A_317 : memref<128xf32, #tpu.memory_space<vmem>>) dst(%dma_wait3A_310 : memref<128xf32, #tpu.memory_space<vmem_shared>>)
      tpu.yield
    }) : () -> ()
    %add3A_36 = arith.constant 128 : i32
    %add3A_37 = arith.addi %mul3A_2, %add3A_36 : i32
    %run_scoped3A_38 = arith.constant 0 : i32
    %run_scoped3A_39 = arith.constant 0 : i32
    "tpu.region"() ({
      %run_scoped3A_285 = tpu.sem_alloc : memref<!tpu.dma_semaphore, #tpu.memory_space<semaphore_mem>>
      %dma_start3A_286 = arith.constant 0 : i32
      %dma_start3A_287 = arith.constant 0 : i32
      %dma_start3A_288 = tpu.memref_slice %arg8[%run_scoped3A_38, %dma_start3A_286, %dma_start3A_287] : memref<2x80x128xf32, #tpu.memory_space<vmem>> -> memref<1x80x128xf32, #tpu.memory_space<vmem>>
      %dma_start3A_289 = tpu.memref_squeeze %dma_start3A_288 : memref<1x80x128xf32, #tpu.memory_space<vmem>> -> memref<80x128xf32, #tpu.memory_space<vmem>>
      %dma_start3A_290 = arith.constant 0 : i32
      %dma_start3A_291 = tpu.memref_slice %dma_start3A_289[%run_scoped3A_39, %dma_start3A_290] : memref<80x128xf32, #tpu.memory_space<vmem>> -> memref<1x128xf32, #tpu.memory_space<vmem>>
      %dma_start3A_292 = tpu.memref_squeeze %dma_start3A_291 : memref<1x128xf32, #tpu.memory_space<vmem>> -> memref<128xf32, #tpu.memory_space<vmem>>
      %dma_start3A_293 = tpu.memref_slice %arg11[%add3A_37] : memref<10240xf32, #tpu.memory_space<vmem_shared>> -> memref<128xf32, #tpu.memory_space<vmem_shared>>
      %dma_start3A_294 = tpu.memref_slice %arg11[%add3A_37] : memref<10240xf32, #tpu.memory_space<vmem_shared>> -> memref<128xf32, #tpu.memory_space<vmem_shared>>
      %dma_start3A_295 = arith.constant 0 : i32
      %dma_start3A_296 = arith.constant 0 : i32
      %dma_start3A_297 = tpu.memref_slice %arg8[%run_scoped3A_38, %dma_start3A_295, %dma_start3A_296] : memref<2x80x128xf32, #tpu.memory_space<vmem>> -> memref<1x80x128xf32, #tpu.memory_space<vmem>>
      %dma_start3A_298 = tpu.memref_squeeze %dma_start3A_297 : memref<1x80x128xf32, #tpu.memory_space<vmem>> -> memref<80x128xf32, #tpu.memory_space<vmem>>
      %dma_start3A_299 = arith.constant 0 : i32
      %dma_start3A_300 = tpu.memref_slice %dma_start3A_298[%run_scoped3A_39, %dma_start3A_299] : memref<80x128xf32, #tpu.memory_space<vmem>> -> memref<1x128xf32, #tpu.memory_space<vmem>>
      %dma_start3A_301 = tpu.memref_squeeze %dma_start3A_300 : memref<1x128xf32, #tpu.memory_space<vmem>> -> memref<128xf32, #tpu.memory_space<vmem>>
      tpu.enqueue_dma source(%dma_start3A_301 : memref<128xf32, #tpu.memory_space<vmem>>) target(%dma_start3A_294 : memref<128xf32, #tpu.memory_space<vmem_shared>>) target_semaphore(%run_scoped3A_285 : memref<!tpu.dma_semaphore, #tpu.memory_space<semaphore_mem>>)
      %dma_wait3A_302 = arith.constant 0 : i32
      %dma_wait3A_303 = arith.constant 0 : i32
      %dma_wait3A_304 = tpu.memref_slice %arg8[%run_scoped3A_38, %dma_wait3A_302, %dma_wait3A_303] : memref<2x80x128xf32, #tpu.memory_space<vmem>> -> memref<1x80x128xf32, #tpu.memory_space<vmem>>
      %dma_wait3A_305 = tpu.memref_squeeze %dma_wait3A_304 : memref<1x80x128xf32, #tpu.memory_space<vmem>> -> memref<80x128xf32, #tpu.memory_space<vmem>>
      %dma_wait3A_306 = arith.constant 0 : i32
      %dma_wait3A_307 = tpu.memref_slice %dma_wait3A_305[%run_scoped3A_39, %dma_wait3A_306] : memref<80x128xf32, #tpu.memory_space<vmem>> -> memref<1x128xf32, #tpu.memory_space<vmem>>
      %dma_wait3A_308 = tpu.memref_squeeze %dma_wait3A_307 : memref<1x128xf32, #tpu.memory_space<vmem>> -> memref<128xf32, #tpu.memory_space<vmem>>
      %dma_wait3A_309 = tpu.memref_slice %arg11[%add3A_37] : memref<10240xf32, #tpu.memory_space<vmem_shared>> -> memref<128xf32, #tpu.memory_space<vmem_shared>>
      %dma_wait3A_310 = tpu.memref_slice %arg11[%add3A_37] : memref<10240xf32, #tpu.memory_space<vmem_shared>> -> memref<128xf32, #tpu.memory_space<vmem_shared>>
      %dma_wait3A_311 = arith.constant 0 : i32
      %dma_wait3A_312 = arith.constant 0 : i32
      %dma_wait3A_313 = tpu.memref_slice %arg8[%run_scoped3A_38, %dma_wait3A_311, %dma_wait3A_312] : memref<2x80x128xf32, #tpu.memory_space<vmem>> -> memref<1x80x128xf32, #tpu.memory_space<vmem>>
      %dma_wait3A_314 = tpu.memref_squeeze %dma_wait3A_313 : memref<1x80x128xf32, #tpu.memory_space<vmem>> -> memref<80x128xf32, #tpu.memory_space<vmem>>
      %dma_wait3A_315 = arith.constant 0 : i32
      %dma_wait3A_316 = tpu.memref_slice %dma_wait3A_314[%run_scoped3A_39, %dma_wait3A_315] : memref<80x128xf32, #tpu.memory_space<vmem>> -> memref<1x128xf32, #tpu.memory_space<vmem>>
      %dma_wait3A_317 = tpu.memref_squeeze %dma_wait3A_316 : memref<1x128xf32, #tpu.memory_space<vmem>> -> memref<128xf32, #tpu.memory_space<vmem>>
      tpu.wait_dma2 semaphore(%run_scoped3A_285 : memref<!tpu.dma_semaphore, #tpu.memory_space<semaphore_mem>>) src(%dma_wait3A_317 : memref<128xf32, #tpu.memory_space<vmem>>) dst(%dma_wait3A_310 : memref<128xf32, #tpu.memory_space<vmem_shared>>)
      tpu.yield
    }) : () -> ()
    %add3A_40 = arith.constant 256 : i32
    %add3A_41 = arith.addi %mul3A_2, %add3A_40 : i32
    %run_scoped3A_42 = arith.constant 0 : i32
    %run_scoped3A_43 = arith.constant 0 : i32
    "tpu.region"() ({
      %run_scoped3A_285 = tpu.sem_alloc : memref<!tpu.dma_semaphore, #tpu.memory_space<semaphore_mem>>
      %dma_start3A_286 = arith.constant 0 : i32
      %dma_start3A_287 = arith.constant 0 : i32
      %dma_start3A_288 = tpu.memref_slice %arg8[%run_scoped3A_42, %dma_start3A_286, %dma_start3A_287] : memref<2x80x128xf32, #tpu.memory_space<vmem>> -> memref<1x80x128xf32, #tpu.memory_space<vmem>>
      %dma_start3A_289 = tpu.memref_squeeze %dma_start3A_288 : memref<1x80x128xf32, #tpu.memory_space<vmem>> -> memref<80x128xf32, #tpu.memory_space<vmem>>
      %dma_start3A_290 = arith.constant 0 : i32
      %dma_start3A_291 = tpu.memref_slice %dma_start3A_289[%run_scoped3A_43, %dma_start3A_290] : memref<80x128xf32, #tpu.memory_space<vmem>> -> memref<1x128xf32, #tpu.memory_space<vmem>>
      %dma_start3A_292 = tpu.memref_squeeze %dma_start3A_291 : memref<1x128xf32, #tpu.memory_space<vmem>> -> memref<128xf32, #tpu.memory_space<vmem>>
      %dma_start3A_293 = tpu.memref_slice %arg11[%add3A_41] : memref<10240xf32, #tpu.memory_space<vmem_shared>> -> memref<128xf32, #tpu.memory_space<vmem_shared>>
      %dma_start3A_294 = tpu.memref_slice %arg11[%add3A_41] : memref<10240xf32, #tpu.memory_space<vmem_shared>> -> memref<128xf32, #tpu.memory_space<vmem_shared>>
      %dma_start3A_295 = arith.constant 0 : i32
      %dma_start3A_296 = arith.constant 0 : i32
      %dma_start3A_297 = tpu.memref_slice %arg8[%run_scoped3A_42, %dma_start3A_295, %dma_start3A_296] : memref<2x80x128xf32, #tpu.memory_space<vmem>> -> memref<1x80x128xf32, #tpu.memory_space<vmem>>
      %dma_start3A_298 = tpu.memref_squeeze %dma_start3A_297 : memref<1x80x128xf32, #tpu.memory_space<vmem>> -> memref<80x128xf32, #tpu.memory_space<vmem>>
      %dma_start3A_299 = arith.constant 0 : i32
      %dma_start3A_300 = tpu.memref_slice %dma_start3A_298[%run_scoped3A_43, %dma_start3A_299] : memref<80x128xf32, #tpu.memory_space<vmem>> -> memref<1x128xf32, #tpu.memory_space<vmem>>
      %dma_start3A_301 = tpu.memref_squeeze %dma_start3A_300 : memref<1x128xf32, #tpu.memory_space<vmem>> -> memref<128xf32, #tpu.memory_space<vmem>>
      tpu.enqueue_dma source(%dma_start3A_301 : memref<128xf32, #tpu.memory_space<vmem>>) target(%dma_start3A_294 : memref<128xf32, #tpu.memory_space<vmem_shared>>) target_semaphore(%run_scoped3A_285 : memref<!tpu.dma_semaphore, #tpu.memory_space<semaphore_mem>>)
      %dma_wait3A_302 = arith.constant 0 : i32
      %dma_wait3A_303 = arith.constant 0 : i32
      %dma_wait3A_304 = tpu.memref_slice %arg8[%run_scoped3A_42, %dma_wait3A_302, %dma_wait3A_303] : memref<2x80x128xf32, #tpu.memory_space<vmem>> -> memref<1x80x128xf32, #tpu.memory_space<vmem>>
      %dma_wait3A_305 = tpu.memref_squeeze %dma_wait3A_304 : memref<1x80x128xf32, #tpu.memory_space<vmem>> -> memref<80x128xf32, #tpu.memory_space<vmem>>
      %dma_wait3A_306 = arith.constant 0 : i32
      %dma_wait3A_307 = tpu.memref_slice %dma_wait3A_305[%run_scoped3A_43, %dma_wait3A_306] : memref<80x128xf32, #tpu.memory_space<vmem>> -> memref<1x128xf32, #tpu.memory_space<vmem>>
      %dma_wait3A_308 = tpu.memref_squeeze %dma_wait3A_307 : memref<1x128xf32, #tpu.memory_space<vmem>> -> memref<128xf32, #tpu.memory_space<vmem>>
      %dma_wait3A_309 = tpu.memref_slice %arg11[%add3A_41] : memref<10240xf32, #tpu.memory_space<vmem_shared>> -> memref<128xf32, #tpu.memory_space<vmem_shared>>
      %dma_wait3A_310 = tpu.memref_slice %arg11[%add3A_41] : memref<10240xf32, #tpu.memory_space<vmem_shared>> -> memref<128xf32, #tpu.memory_space<vmem_shared>>
      %dma_wait3A_311 = arith.constant 0 : i32
      %dma_wait3A_312 = arith.constant 0 : i32
      %dma_wait3A_313 = tpu.memref_slice %arg8[%run_scoped3A_42, %dma_wait3A_311, %dma_wait3A_312] : memref<2x80x128xf32, #tpu.memory_space<vmem>> -> memref<1x80x128xf32, #tpu.memory_space<vmem>>
      %dma_wait3A_314 = tpu.memref_squeeze %dma_wait3A_313 : memref<1x80x128xf32, #tpu.memory_space<vmem>> -> memref<80x128xf32, #tpu.memory_space<vmem>>
      %dma_wait3A_315 = arith.constant 0 : i32
      %dma_wait3A_316 = tpu.memref_slice %dma_wait3A_314[%run_scoped3A_43, %dma_wait3A_315] : memref<80x128xf32, #tpu.memory_space<vmem>> -> memref<1x128xf32, #tpu.memory_space<vmem>>
      %dma_wait3A_317 = tpu.memref_squeeze %dma_wait3A_316 : memref<1x128xf32, #tpu.memory_space<vmem>> -> memref<128xf32, #tpu.memory_space<vmem>>
      tpu.wait_dma2 semaphore(%run_scoped3A_285 : memref<!tpu.dma_semaphore, #tpu.memory_space<semaphore_mem>>) src(%dma_wait3A_317 : memref<128xf32, #tpu.memory_space<vmem>>) dst(%dma_wait3A_310 : memref<128xf32, #tpu.memory_space<vmem_shared>>)
      tpu.yield
    }) : () -> ()
    %add3A_44 = arith.constant 384 : i32
    %add3A_45 = arith.addi %mul3A_2, %add3A_44 : i32
    %run_scoped3A_46 = arith.constant 0 : i32
    %run_scoped3A_47 = arith.constant 0 : i32
    "tpu.region"() ({
      %run_scoped3A_285 = tpu.sem_alloc : memref<!tpu.dma_semaphore, #tpu.memory_space<semaphore_mem>>
      %dma_start3A_286 = arith.constant 0 : i32
      %dma_start3A_287 = arith.constant 0 : i32
      %dma_start3A_288 = tpu.memref_slice %arg8[%run_scoped3A_46, %dma_start3A_286, %dma_start3A_287] : memref<2x80x128xf32, #tpu.memory_space<vmem>> -> memref<1x80x128xf32, #tpu.memory_space<vmem>>
      %dma_start3A_289 = tpu.memref_squeeze %dma_start3A_288 : memref<1x80x128xf32, #tpu.memory_space<vmem>> -> memref<80x128xf32, #tpu.memory_space<vmem>>
      %dma_start3A_290 = arith.constant 0 : i32
      %dma_start3A_291 = tpu.memref_slice %dma_start3A_289[%run_scoped3A_47, %dma_start3A_290] : memref<80x128xf32, #tpu.memory_space<vmem>> -> memref<1x128xf32, #tpu.memory_space<vmem>>
      %dma_start3A_292 = tpu.memref_squeeze %dma_start3A_291 : memref<1x128xf32, #tpu.memory_space<vmem>> -> memref<128xf32, #tpu.memory_space<vmem>>
      %dma_start3A_293 = tpu.memref_slice %arg11[%add3A_45] : memref<10240xf32, #tpu.memory_space<vmem_shared>> -> memref<128xf32, #tpu.memory_space<vmem_shared>>
      %dma_start3A_294 = tpu.memref_slice %arg11[%add3A_45] : memref<10240xf32, #tpu.memory_space<vmem_shared>> -> memref<128xf32, #tpu.memory_space<vmem_shared>>
      %dma_start3A_295 = arith.constant 0 : i32
      %dma_start3A_296 = arith.constant 0 : i32
      %dma_start3A_297 = tpu.memref_slice %arg8[%run_scoped3A_46, %dma_start3A_295, %dma_start3A_296] : memref<2x80x128xf32, #tpu.memory_space<vmem>> -> memref<1x80x128xf32, #tpu.memory_space<vmem>>
      %dma_start3A_298 = tpu.memref_squeeze %dma_start3A_297 : memref<1x80x128xf32, #tpu.memory_space<vmem>> -> memref<80x128xf32, #tpu.memory_space<vmem>>
      %dma_start3A_299 = arith.constant 0 : i32
      %dma_start3A_300 = tpu.memref_slice %dma_start3A_298[%run_scoped3A_47, %dma_start3A_299] : memref<80x128xf32, #tpu.memory_space<vmem>> -> memref<1x128xf32, #tpu.memory_space<vmem>>
      %dma_start3A_301 = tpu.memref_squeeze %dma_start3A_300 : memref<1x128xf32, #tpu.memory_space<vmem>> -> memref<128xf32, #tpu.memory_space<vmem>>
      tpu.enqueue_dma source(%dma_start3A_301 : memref<128xf32, #tpu.memory_space<vmem>>) target(%dma_start3A_294 : memref<128xf32, #tpu.memory_space<vmem_shared>>) target_semaphore(%run_scoped3A_285 : memref<!tpu.dma_semaphore, #tpu.memory_space<semaphore_mem>>)
      %dma_wait3A_302 = arith.constant 0 : i32
      %dma_wait3A_303 = arith.constant 0 : i32
      %dma_wait3A_304 = tpu.memref_slice %arg8[%run_scoped3A_46, %dma_wait3A_302, %dma_wait3A_303] : memref<2x80x128xf32, #tpu.memory_space<vmem>> -> memref<1x80x128xf32, #tpu.memory_space<vmem>>
      %dma_wait3A_305 = tpu.memref_squeeze %dma_wait3A_304 : memref<1x80x128xf32, #tpu.memory_space<vmem>> -> memref<80x128xf32, #tpu.memory_space<vmem>>
      %dma_wait3A_306 = arith.constant 0 : i32
      %dma_wait3A_307 = tpu.memref_slice %dma_wait3A_305[%run_scoped3A_47, %dma_wait3A_306] : memref<80x128xf32, #tpu.memory_space<vmem>> -> memref<1x128xf32, #tpu.memory_space<vmem>>
      %dma_wait3A_308 = tpu.memref_squeeze %dma_wait3A_307 : memref<1x128xf32, #tpu.memory_space<vmem>> -> memref<128xf32, #tpu.memory_space<vmem>>
      %dma_wait3A_309 = tpu.memref_slice %arg11[%add3A_45] : memref<10240xf32, #tpu.memory_space<vmem_shared>> -> memref<128xf32, #tpu.memory_space<vmem_shared>>
      %dma_wait3A_310 = tpu.memref_slice %arg11[%add3A_45] : memref<10240xf32, #tpu.memory_space<vmem_shared>> -> memref<128xf32, #tpu.memory_space<vmem_shared>>
      %dma_wait3A_311 = arith.constant 0 : i32
      %dma_wait3A_312 = arith.constant 0 : i32
      %dma_wait3A_313 = tpu.memref_slice %arg8[%run_scoped3A_46, %dma_wait3A_311, %dma_wait3A_312] : memref<2x80x128xf32, #tpu.memory_space<vmem>> -> memref<1x80x128xf32, #tpu.memory_space<vmem>>
      %dma_wait3A_314 = tpu.memref_squeeze %dma_wait3A_313 : memref<1x80x128xf32, #tpu.memory_space<vmem>> -> memref<80x128xf32, #tpu.memory_space<vmem>>
      %dma_wait3A_315 = arith.constant 0 : i32
      %dma_wait3A_316 = tpu.memref_slice %dma_wait3A_314[%run_scoped3A_47, %dma_wait3A_315] : memref<80x128xf32, #tpu.memory_space<vmem>> -> memref<1x128xf32, #tpu.memory_space<vmem>>
      %dma_wait3A_317 = tpu.memref_squeeze %dma_wait3A_316 : memref<1x128xf32, #tpu.memory_space<vmem>> -> memref<128xf32, #tpu.memory_space<vmem>>
      tpu.wait_dma2 semaphore(%run_scoped3A_285 : memref<!tpu.dma_semaphore, #tpu.memory_space<semaphore_mem>>) src(%dma_wait3A_317 : memref<128xf32, #tpu.memory_space<vmem>>) dst(%dma_wait3A_310 : memref<128xf32, #tpu.memory_space<vmem_shared>>)
      tpu.yield
    }) : () -> ()
    %add3A_48 = arith.constant 512 : i32
    %add3A_49 = arith.addi %mul3A_2, %add3A_48 : i32
    %run_scoped3A_50 = arith.constant 0 : i32
    %run_scoped3A_51 = arith.constant 0 : i32
    "tpu.region"() ({
      %run_scoped3A_285 = tpu.sem_alloc : memref<!tpu.dma_semaphore, #tpu.memory_space<semaphore_mem>>
      %dma_start3A_286 = arith.constant 0 : i32
      %dma_start3A_287 = arith.constant 0 : i32
      %dma_start3A_288 = tpu.memref_slice %arg8[%run_scoped3A_50, %dma_start3A_286, %dma_start3A_287] : memref<2x80x128xf32, #tpu.memory_space<vmem>> -> memref<1x80x128xf32, #tpu.memory_space<vmem>>
      %dma_start3A_289 = tpu.memref_squeeze %dma_start3A_288 : memref<1x80x128xf32, #tpu.memory_space<vmem>> -> memref<80x128xf32, #tpu.memory_space<vmem>>
      %dma_start3A_290 = arith.constant 0 : i32
      %dma_start3A_291 = tpu.memref_slice %dma_start3A_289[%run_scoped3A_51, %dma_start3A_290] : memref<80x128xf32, #tpu.memory_space<vmem>> -> memref<1x128xf32, #tpu.memory_space<vmem>>
      %dma_start3A_292 = tpu.memref_squeeze %dma_start3A_291 : memref<1x128xf32, #tpu.memory_space<vmem>> -> memref<128xf32, #tpu.memory_space<vmem>>
      %dma_start3A_293 = tpu.memref_slice %arg11[%add3A_49] : memref<10240xf32, #tpu.memory_space<vmem_shared>> -> memref<128xf32, #tpu.memory_space<vmem_shared>>
      %dma_start3A_294 = tpu.memref_slice %arg11[%add3A_49] : memref<10240xf32, #tpu.memory_space<vmem_shared>> -> memref<128xf32, #tpu.memory_space<vmem_shared>>
      %dma_start3A_295 = arith.constant 0 : i32
      %dma_start3A_296 = arith.constant 0 : i32
      %dma_start3A_297 = tpu.memref_slice %arg8[%run_scoped3A_50, %dma_start3A_295, %dma_start3A_296] : memref<2x80x128xf32, #tpu.memory_space<vmem>> -> memref<1x80x128xf32, #tpu.memory_space<vmem>>
      %dma_start3A_298 = tpu.memref_squeeze %dma_start3A_297 : memref<1x80x128xf32, #tpu.memory_space<vmem>> -> memref<80x128xf32, #tpu.memory_space<vmem>>
      %dma_start3A_299 = arith.constant 0 : i32
      %dma_start3A_300 = tpu.memref_slice %dma_start3A_298[%run_scoped3A_51, %dma_start3A_299] : memref<80x128xf32, #tpu.memory_space<vmem>> -> memref<1x128xf32, #tpu.memory_space<vmem>>
      %dma_start3A_301 = tpu.memref_squeeze %dma_start3A_300 : memref<1x128xf32, #tpu.memory_space<vmem>> -> memref<128xf32, #tpu.memory_space<vmem>>
      tpu.enqueue_dma source(%dma_start3A_301 : memref<128xf32, #tpu.memory_space<vmem>>) target(%dma_start3A_294 : memref<128xf32, #tpu.memory_space<vmem_shared>>) target_semaphore(%run_scoped3A_285 : memref<!tpu.dma_semaphore, #tpu.memory_space<semaphore_mem>>)
      %dma_wait3A_302 = arith.constant 0 : i32
      %dma_wait3A_303 = arith.constant 0 : i32
      %dma_wait3A_304 = tpu.memref_slice %arg8[%run_scoped3A_50, %dma_wait3A_302, %dma_wait3A_303] : memref<2x80x128xf32, #tpu.memory_space<vmem>> -> memref<1x80x128xf32, #tpu.memory_space<vmem>>
      %dma_wait3A_305 = tpu.memref_squeeze %dma_wait3A_304 : memref<1x80x128xf32, #tpu.memory_space<vmem>> -> memref<80x128xf32, #tpu.memory_space<vmem>>
      %dma_wait3A_306 = arith.constant 0 : i32
      %dma_wait3A_307 = tpu.memref_slice %dma_wait3A_305[%run_scoped3A_51, %dma_wait3A_306] : memref<80x128xf32, #tpu.memory_space<vmem>> -> memref<1x128xf32, #tpu.memory_space<vmem>>
      %dma_wait3A_308 = tpu.memref_squeeze %dma_wait3A_307 : memref<1x128xf32, #tpu.memory_space<vmem>> -> memref<128xf32, #tpu.memory_space<vmem>>
      %dma_wait3A_309 = tpu.memref_slice %arg11[%add3A_49] : memref<10240xf32, #tpu.memory_space<vmem_shared>> -> memref<128xf32, #tpu.memory_space<vmem_shared>>
      %dma_wait3A_310 = tpu.memref_slice %arg11[%add3A_49] : memref<10240xf32, #tpu.memory_space<vmem_shared>> -> memref<128xf32, #tpu.memory_space<vmem_shared>>
      %dma_wait3A_311 = arith.constant 0 : i32
      %dma_wait3A_312 = arith.constant 0 : i32
      %dma_wait3A_313 = tpu.memref_slice %arg8[%run_scoped3A_50, %dma_wait3A_311, %dma_wait3A_312] : memref<2x80x128xf32, #tpu.memory_space<vmem>> -> memref<1x80x128xf32, #tpu.memory_space<vmem>>
      %dma_wait3A_314 = tpu.memref_squeeze %dma_wait3A_313 : memref<1x80x128xf32, #tpu.memory_space<vmem>> -> memref<80x128xf32, #tpu.memory_space<vmem>>
      %dma_wait3A_315 = arith.constant 0 : i32
      %dma_wait3A_316 = tpu.memref_slice %dma_wait3A_314[%run_scoped3A_51, %dma_wait3A_315] : memref<80x128xf32, #tpu.memory_space<vmem>> -> memref<1x128xf32, #tpu.memory_space<vmem>>
      %dma_wait3A_317 = tpu.memref_squeeze %dma_wait3A_316 : memref<1x128xf32, #tpu.memory_space<vmem>> -> memref<128xf32, #tpu.memory_space<vmem>>
      tpu.wait_dma2 semaphore(%run_scoped3A_285 : memref<!tpu.dma_semaphore, #tpu.memory_space<semaphore_mem>>) src(%dma_wait3A_317 : memref<128xf32, #tpu.memory_space<vmem>>) dst(%dma_wait3A_310 : memref<128xf32, #tpu.memory_space<vmem_shared>>)
      tpu.yield
    }) : () -> ()
    %scan3A_52 = arith.constant 0 : i32
    %scan3A_53 = arith.constant 0 : i32
    %scan3A_54 = arith.constant 8 : i32
    %scan3A_55 = arith.addi %scan3A_53, %scan3A_54 : i32
    %scan3A_56 = arith.constant 1 : i32
    scf.for %scan3A_285 = %scan3A_53 to %scan3A_55 step %scan3A_56  : i32 {
      %broadcast_in_dim3A = arith.constant 1.000000e+00 : f32
      %broadcast_in_dim3A_286 = vector.broadcast %broadcast_in_dim3A : f32 to vector<16xf32>
      %mul3A_287 = arith.constant 16 : i32
      %mul3A_288 = arith.muli %scan3A_285, %mul3A_287 : i32
      %swap3A = arith.index_cast %mul3A_288 : i32 to index
      %swap3A_289 = tpu.vector_load %arg9[%swap3A] {strides = array<i32>} : memref<128xf32, #tpu.memory_space<vmem>>, vector<16xf32>,
      %swap3A_290 = vector.shape_cast %swap3A_289 : vector<16xf32> to vector<16xf32>
      %swap3A_291 = vector.shape_cast %broadcast_in_dim3A_286 : vector<16xf32> to vector<16xf32>
      tpu.vector_store %arg9[%swap3A], %swap3A_291 {strides = array<i32>} : memref<128xf32, #tpu.memory_space<vmem>>, vector<16xf32>,
    }
    %scan3A_57 = arith.constant 8 : i32
    %mul3A_58 = arith.constant 10000 : i32
    %mul3A_59 = arith.muli %add3A, %mul3A_58 : i32
    "tpu.region"() ({
      %run_scoped3A_285 = tpu.sem_alloc : memref<!tpu.dma_semaphore, #tpu.memory_space<semaphore_mem>>
      %dma_start3A_286 = tpu.memref_slice %arg3[%mul3A_59] : memref<640128xi32, #tpu.memory_space<hbm>> -> memref<10112xi32, #tpu.memory_space<hbm>>
      %dma_start3A_287 = tpu.memref_slice %arg3[%mul3A_59] : memref<640128xi32, #tpu.memory_space<hbm>> -> memref<10112xi32, #tpu.memory_space<hbm>>
      tpu.enqueue_dma source(%dma_start3A_287 : memref<10112xi32, #tpu.memory_space<hbm>>) target(%arg6 : memref<10112xi32, #tpu.memory_space<vmem>>) target_semaphore(%run_scoped3A_285 : memref<!tpu.dma_semaphore, #tpu.memory_space<semaphore_mem>>)
      %dma_wait3A_288 = tpu.memref_slice %arg3[%mul3A_59] : memref<640128xi32, #tpu.memory_space<hbm>> -> memref<10112xi32, #tpu.memory_space<hbm>>
      %dma_wait3A_289 = tpu.memref_slice %arg3[%mul3A_59] : memref<640128xi32, #tpu.memory_space<hbm>> -> memref<10112xi32, #tpu.memory_space<hbm>>
      tpu.wait_dma2 semaphore(%run_scoped3A_285 : memref<!tpu.dma_semaphore, #tpu.memory_space<semaphore_mem>>) src(%dma_wait3A_289 : memref<10112xi32, #tpu.memory_space<hbm>>) dst(%arg6 : memref<10112xi32, #tpu.memory_space<vmem>>)
      tpu.yield
    }) : () -> ()
    %mul3A_60 = arith.constant 10000 : i32
    %mul3A_61 = arith.muli %add3A, %mul3A_60 : i32
    %add3A_62 = arith.constant 320000 : i32
    %add3A_63 = arith.addi %add3A_62, %mul3A_61 : i32
    "tpu.region"() ({
      %run_scoped3A_285 = tpu.sem_alloc : memref<!tpu.dma_semaphore, #tpu.memory_space<semaphore_mem>>
      %dma_start3A_286 = tpu.memref_slice %arg3[%add3A_63] : memref<640128xi32, #tpu.memory_space<hbm>> -> memref<10112xi32, #tpu.memory_space<hbm>>
      %dma_start3A_287 = tpu.memref_slice %arg3[%add3A_63] : memref<640128xi32, #tpu.memory_space<hbm>> -> memref<10112xi32, #tpu.memory_space<hbm>>
      tpu.enqueue_dma source(%dma_start3A_287 : memref<10112xi32, #tpu.memory_space<hbm>>) target(%arg7 : memref<10112xi32, #tpu.memory_space<vmem>>) target_semaphore(%run_scoped3A_285 : memref<!tpu.dma_semaphore, #tpu.memory_space<semaphore_mem>>)
      %dma_wait3A_288 = tpu.memref_slice %arg3[%add3A_63] : memref<640128xi32, #tpu.memory_space<hbm>> -> memref<10112xi32, #tpu.memory_space<hbm>>
      %dma_wait3A_289 = tpu.memref_slice %arg3[%add3A_63] : memref<640128xi32, #tpu.memory_space<hbm>> -> memref<10112xi32, #tpu.memory_space<hbm>>
      tpu.wait_dma2 semaphore(%run_scoped3A_285 : memref<!tpu.dma_semaphore, #tpu.memory_space<semaphore_mem>>) src(%dma_wait3A_289 : memref<10112xi32, #tpu.memory_space<hbm>>) dst(%arg7 : memref<10112xi32, #tpu.memory_space<vmem>>)
      tpu.yield
    }) : () -> ()
    %barrier3A = arith.constant 0 : index
    tpu.barrier barrier_id(%barrier3A)
    %dma_start3A = arith.constant 0 : i32
    %dma_start3A_64 = arith.constant 0 : i32
    %dma_start3A_65 = arith.constant 0 : i32
    %dma_start3A_66 = tpu.memref_slice %arg8[%dma_start3A, %dma_start3A_64, %dma_start3A_65] : memref<2x80x128xf32, #tpu.memory_space<vmem>> -> memref<1x80x128xf32, #tpu.memory_space<vmem>>
    %dma_start3A_67 = tpu.memref_squeeze %dma_start3A_66 : memref<1x80x128xf32, #tpu.memory_space<vmem>> -> memref<80x128xf32, #tpu.memory_space<vmem>>
    %dma_start3A_68 = arith.constant 0 : i32
    %dma_start3A_69 = tpu.memref_slice %arg6[%dma_start3A_68] : memref<10112xi32, #tpu.memory_space<vmem>> -> memref<80xi32, #tpu.memory_space<vmem>>
    %dma_start3A_70 = arith.constant 0 : i32
    %dma_start3A_71 = arith.constant 0 : i32
    %dma_start3A_72 = tpu.memref_slice %arg2[%dma_start3A_70, %dma_start3A_71] : memref<10000x128xf32, #tpu.memory_space<hbm>> -> memref<10000x128xf32, #tpu.memory_space<hbm>>
    tpu.enqueue_indirect_dma source(%dma_start3A_72 : memref<10000x128xf32, #tpu.memory_space<hbm>>) target(%dma_start3A_67 : memref<80x128xf32, #tpu.memory_space<vmem>>) offsets(%dma_start3A_69 : memref<80xi32, #tpu.memory_space<vmem>>) semaphore(%arg12 : memref<!tpu.dma_semaphore, #tpu.memory_space<semaphore_mem>>)
    %scan3A_73 = arith.constant 0 : i32
    %scan3A_74 = arith.constant 0 : i32
    %scan3A_75 = arith.constant 61 : i32
    %scan3A_76 = arith.addi %scan3A_74, %scan3A_75 : i32
    %scan3A_77 = arith.constant 1 : i32
    scf.for %scan3A_285 = %scan3A_74 to %scan3A_76 step %scan3A_77  : i32 {
      %mul3A_286 = arith.constant 2 : i32
      %mul3A_287 = arith.muli %mul3A_286, %scan3A_285 : i32
      %add3A_288 = arith.constant 1 : i32
      %add3A_289 = arith.addi %mul3A_287, %add3A_288 : i32
      %mul3A_290 = arith.constant 80 : i32
      %mul3A_291 = arith.muli %add3A_289, %mul3A_290 : i32
      %dma_start3A_292 = arith.constant 1 : i32
      %dma_start3A_293 = arith.constant 0 : i32
      %dma_start3A_294 = arith.constant 0 : i32
      %dma_start3A_295 = tpu.memref_slice %arg8[%dma_start3A_292, %dma_start3A_293, %dma_start3A_294] : memref<2x80x128xf32, #tpu.memory_space<vmem>> -> memref<1x80x128xf32, #tpu.memory_space<vmem>>
      %dma_start3A_296 = tpu.memref_squeeze %dma_start3A_295 : memref<1x80x128xf32, #tpu.memory_space<vmem>> -> memref<80x128xf32, #tpu.memory_space<vmem>>
      %dma_start3A_297 = tpu.memref_slice %arg6[%mul3A_291] : memref<10112xi32, #tpu.memory_space<vmem>> -> memref<80xi32, #tpu.memory_space<vmem>>
      %dma_start3A_298 = arith.constant 0 : i32
      %dma_start3A_299 = arith.constant 0 : i32
      %dma_start3A_300 = tpu.memref_slice %arg2[%dma_start3A_298, %dma_start3A_299] : memref<10000x128xf32, #tpu.memory_space<hbm>> -> memref<10000x128xf32, #tpu.memory_space<hbm>>
      tpu.enqueue_indirect_dma source(%dma_start3A_300 : memref<10000x128xf32, #tpu.memory_space<hbm>>) target(%dma_start3A_296 : memref<80x128xf32, #tpu.memory_space<vmem>>) offsets(%dma_start3A_297 : memref<80xi32, #tpu.memory_space<vmem>>) semaphore(%arg13 : memref<!tpu.dma_semaphore, #tpu.memory_space<semaphore_mem>>)
      %dma_wait3A_301 = arith.constant 0 : i32
      %dma_wait3A_302 = arith.constant 0 : i32
      %dma_wait3A_303 = arith.constant 0 : i32
      %dma_wait3A_304 = tpu.memref_slice %arg8[%dma_wait3A_301, %dma_wait3A_302, %dma_wait3A_303] : memref<2x80x128xf32, #tpu.memory_space<vmem>> -> memref<1x80x128xf32, #tpu.memory_space<vmem>>
      %dma_wait3A_305 = tpu.memref_squeeze %dma_wait3A_304 : memref<1x80x128xf32, #tpu.memory_space<vmem>> -> memref<80x128xf32, #tpu.memory_space<vmem>>
      %dma_wait3A_306 = arith.constant 0 : i32
      %dma_wait3A_307 = tpu.memref_slice %arg6[%dma_wait3A_306] : memref<10112xi32, #tpu.memory_space<vmem>> -> memref<80xi32, #tpu.memory_space<vmem>>
      %dma_wait3A_308 = arith.constant 0 : i32
      %dma_wait3A_309 = arith.constant 0 : i32
      %dma_wait3A_310 = tpu.memref_slice %arg2[%dma_wait3A_308, %dma_wait3A_309] : memref<10000x128xf32, #tpu.memory_space<hbm>> -> memref<10000x128xf32, #tpu.memory_space<hbm>>
      tpu.wait_indirect_dma semaphore(%arg12 : memref<!tpu.dma_semaphore, #tpu.memory_space<semaphore_mem>>) src(%dma_wait3A_310 : memref<10000x128xf32, #tpu.memory_space<hbm>>) dst(%dma_wait3A_305 : memref<80x128xf32, #tpu.memory_space<vmem>>)
      %mul3A_311 = arith.constant 80 : i32
      %mul3A_312 = arith.muli %mul3A_287, %mul3A_311 : i32
      %run_scoped3A_313 = arith.constant 0 : i32
      "tpu.region"() ({
        %run_scoped3A_352 = tpu.sem_alloc : memref<!tpu.dma_semaphore, #tpu.memory_space<semaphore_mem>>
        %dma_start3A_353 = arith.constant 0 : i32
        %dma_start3A_354 = arith.constant 0 : i32
        %dma_start3A_355 = tpu.memref_slice %arg8[%run_scoped3A_313, %dma_start3A_353, %dma_start3A_354] : memref<2x80x128xf32, #tpu.memory_space<vmem>> -> memref<1x80x128xf32, #tpu.memory_space<vmem>>
        %dma_start3A_356 = tpu.memref_squeeze %dma_start3A_355 : memref<1x80x128xf32, #tpu.memory_space<vmem>> -> memref<80x128xf32, #tpu.memory_space<vmem>>
        %dma_start3A_357 = tpu.memref_slice %arg7[%mul3A_312] : memref<10112xi32, #tpu.memory_space<vmem>> -> memref<80xi32, #tpu.memory_space<vmem>>
        %dma_start3A_358 = arith.constant 0 : i32
        %dma_start3A_359 = arith.constant 0 : i32
        %dma_start3A_360 = tpu.memref_slice %arg10[%dma_start3A_358, %dma_start3A_359] : memref<10240x128xf32, #tpu.memory_space<vmem_shared>> -> memref<10240x128xf32, #tpu.memory_space<vmem_shared>>
        tpu.enqueue_indirect_dma source(%dma_start3A_356 : memref<80x128xf32, #tpu.memory_space<vmem>>) target(%dma_start3A_360 : memref<10240x128xf32, #tpu.memory_space<vmem_shared>>) offsets(%dma_start3A_357 : memref<80xi32, #tpu.memory_space<vmem>>) semaphore(%run_scoped3A_352 : memref<!tpu.dma_semaphore, #tpu.memory_space<semaphore_mem>>) {add = true}
        %dma_wait3A_361 = arith.constant 0 : i32
        %dma_wait3A_362 = arith.constant 0 : i32
        %dma_wait3A_363 = tpu.memref_slice %arg8[%run_scoped3A_313, %dma_wait3A_361, %dma_wait3A_362] : memref<2x80x128xf32, #tpu.memory_space<vmem>> -> memref<1x80x128xf32, #tpu.memory_space<vmem>>
        %dma_wait3A_364 = tpu.memref_squeeze %dma_wait3A_363 : memref<1x80x128xf32, #tpu.memory_space<vmem>> -> memref<80x128xf32, #tpu.memory_space<vmem>>
        %dma_wait3A_365 = tpu.memref_slice %arg7[%mul3A_312] : memref<10112xi32, #tpu.memory_space<vmem>> -> memref<80xi32, #tpu.memory_space<vmem>>
        %dma_wait3A_366 = arith.constant 0 : i32
        %dma_wait3A_367 = arith.constant 0 : i32
        %dma_wait3A_368 = tpu.memref_slice %arg10[%dma_wait3A_366, %dma_wait3A_367] : memref<10240x128xf32, #tpu.memory_space<vmem_shared>> -> memref<10240x128xf32, #tpu.memory_space<vmem_shared>>
        tpu.wait_indirect_dma semaphore(%run_scoped3A_352 : memref<!tpu.dma_semaphore, #tpu.memory_space<semaphore_mem>>) src(%dma_wait3A_364 : memref<80x128xf32, #tpu.memory_space<vmem>>) dst(%dma_wait3A_368 : memref<10240x128xf32, #tpu.memory_space<vmem_shared>>)
        tpu.yield
      }) : () -> ()
      %add3A_314 = arith.constant 2 : i32
      %add3A_315 = arith.addi %mul3A_287, %add3A_314 : i32
      %mul3A_316 = arith.constant 80 : i32
      %mul3A_317 = arith.muli %add3A_315, %mul3A_316 : i32
      %dma_start3A_318 = arith.constant 0 : i32
      %dma_start3A_319 = arith.constant 0 : i32
      %dma_start3A_320 = arith.constant 0 : i32
      %dma_start3A_321 = tpu.memref_slice %arg8[%dma_start3A_318, %dma_start3A_319, %dma_start3A_320] : memref<2x80x128xf32, #tpu.memory_space<vmem>> -> memref<1x80x128xf32, #tpu.memory_space<vmem>>
      %dma_start3A_322 = tpu.memref_squeeze %dma_start3A_321 : memref<1x80x128xf32, #tpu.memory_space<vmem>> -> memref<80x128xf32, #tpu.memory_space<vmem>>
      %dma_start3A_323 = tpu.memref_slice %arg6[%mul3A_317] : memref<10112xi32, #tpu.memory_space<vmem>> -> memref<80xi32, #tpu.memory_space<vmem>>
      %dma_start3A_324 = arith.constant 0 : i32
      %dma_start3A_325 = arith.constant 0 : i32
      %dma_start3A_326 = tpu.memref_slice %arg2[%dma_start3A_324, %dma_start3A_325] : memref<10000x128xf32, #tpu.memory_space<hbm>> -> memref<10000x128xf32, #tpu.memory_space<hbm>>
      tpu.enqueue_indirect_dma source(%dma_start3A_326 : memref<10000x128xf32, #tpu.memory_space<hbm>>) target(%dma_start3A_322 : memref<80x128xf32, #tpu.memory_space<vmem>>) offsets(%dma_start3A_323 : memref<80xi32, #tpu.memory_space<vmem>>) semaphore(%arg12 : memref<!tpu.dma_semaphore, #tpu.memory_space<semaphore_mem>>)
      %dma_wait3A_327 = arith.constant 1 : i32
      %dma_wait3A_328 = arith.constant 0 : i32
      %dma_wait3A_329 = arith.constant 0 : i32
      %dma_wait3A_330 = tpu.memref_slice %arg8[%dma_wait3A_327, %dma_wait3A_328, %dma_wait3A_329] : memref<2x80x128xf32, #tpu.memory_space<vmem>> -> memref<1x80x128xf32, #tpu.memory_space<vmem>>
      %dma_wait3A_331 = tpu.memref_squeeze %dma_wait3A_330 : memref<1x80x128xf32, #tpu.memory_space<vmem>> -> memref<80x128xf32, #tpu.memory_space<vmem>>
      %dma_wait3A_332 = arith.constant 0 : i32
      %dma_wait3A_333 = tpu.memref_slice %arg6[%dma_wait3A_332] : memref<10112xi32, #tpu.memory_space<vmem>> -> memref<80xi32, #tpu.memory_space<vmem>>
      %dma_wait3A_334 = arith.constant 0 : i32
      %dma_wait3A_335 = arith.constant 0 : i32
      %dma_wait3A_336 = tpu.memref_slice %arg2[%dma_wait3A_334, %dma_wait3A_335] : memref<10000x128xf32, #tpu.memory_space<hbm>> -> memref<10000x128xf32, #tpu.memory_space<hbm>>
      tpu.wait_indirect_dma semaphore(%arg13 : memref<!tpu.dma_semaphore, #tpu.memory_space<semaphore_mem>>) src(%dma_wait3A_336 : memref<10000x128xf32, #tpu.memory_space<hbm>>) dst(%dma_wait3A_331 : memref<80x128xf32, #tpu.memory_space<vmem>>)
      %add3A_337 = arith.constant 1 : i32
      %add3A_338 = arith.addi %mul3A_287, %add3A_337 : i32
      %mul3A_339 = arith.constant 80 : i32
      %mul3A_340 = arith.muli %add3A_338, %mul3A_339 : i32
      %run_scoped3A_341 = arith.constant 1 : i32
      "tpu.region"() ({
        %run_scoped3A_352 = tpu.sem_alloc : memref<!tpu.dma_semaphore, #tpu.memory_space<semaphore_mem>>
        %dma_start3A_353 = arith.constant 0 : i32
        %dma_start3A_354 = arith.constant 0 : i32
        %dma_start3A_355 = tpu.memref_slice %arg8[%run_scoped3A_341, %dma_start3A_353, %dma_start3A_354] : memref<2x80x128xf32, #tpu.memory_space<vmem>> -> memref<1x80x128xf32, #tpu.memory_space<vmem>>
        %dma_start3A_356 = tpu.memref_squeeze %dma_start3A_355 : memref<1x80x128xf32, #tpu.memory_space<vmem>> -> memref<80x128xf32, #tpu.memory_space<vmem>>
        %dma_start3A_357 = tpu.memref_slice %arg7[%mul3A_340] : memref<10112xi32, #tpu.memory_space<vmem>> -> memref<80xi32, #tpu.memory_space<vmem>>
        %dma_start3A_358 = arith.constant 0 : i32
        %dma_start3A_359 = arith.constant 0 : i32
        %dma_start3A_360 = tpu.memref_slice %arg10[%dma_start3A_358, %dma_start3A_359] : memref<10240x128xf32, #tpu.memory_space<vmem_shared>> -> memref<10240x128xf32, #tpu.memory_space<vmem_shared>>
        tpu.enqueue_indirect_dma source(%dma_start3A_356 : memref<80x128xf32, #tpu.memory_space<vmem>>) target(%dma_start3A_360 : memref<10240x128xf32, #tpu.memory_space<vmem_shared>>) offsets(%dma_start3A_357 : memref<80xi32, #tpu.memory_space<vmem>>) semaphore(%run_scoped3A_352 : memref<!tpu.dma_semaphore, #tpu.memory_space<semaphore_mem>>) {add = true}
        %dma_wait3A_361 = arith.constant 0 : i32
        %dma_wait3A_362 = arith.constant 0 : i32
        %dma_wait3A_363 = tpu.memref_slice %arg8[%run_scoped3A_341, %dma_wait3A_361, %dma_wait3A_362] : memref<2x80x128xf32, #tpu.memory_space<vmem>> -> memref<1x80x128xf32, #tpu.memory_space<vmem>>
        %dma_wait3A_364 = tpu.memref_squeeze %dma_wait3A_363 : memref<1x80x128xf32, #tpu.memory_space<vmem>> -> memref<80x128xf32, #tpu.memory_space<vmem>>
        %dma_wait3A_365 = tpu.memref_slice %arg7[%mul3A_340] : memref<10112xi32, #tpu.memory_space<vmem>> -> memref<80xi32, #tpu.memory_space<vmem>>
        %dma_wait3A_366 = arith.constant 0 : i32
        %dma_wait3A_367 = arith.constant 0 : i32
        %dma_wait3A_368 = tpu.memref_slice %arg10[%dma_wait3A_366, %dma_wait3A_367] : memref<10240x128xf32, #tpu.memory_space<vmem_shared>> -> memref<10240x128xf32, #tpu.memory_space<vmem_shared>>
        tpu.wait_indirect_dma semaphore(%run_scoped3A_352 : memref<!tpu.dma_semaphore, #tpu.memory_space<semaphore_mem>>) src(%dma_wait3A_364 : memref<80x128xf32, #tpu.memory_space<vmem>>) dst(%dma_wait3A_368 : memref<10240x128xf32, #tpu.memory_space<vmem_shared>>)
        tpu.yield
      }) : () -> ()
      %lt3A = arith.constant 39 : i32
      %lt3A_342 = arith.cmpi slt, %scan3A_285, %lt3A : i32
      %convert_element_type3A_343 = arith.extui %lt3A_342 : i1 to i32
      %cond3A_344 = arith.constant 0 : i32
      %cond3A_345 = arith.cmpi ne, %convert_element_type3A_343, %cond3A_344 : i32
      scf.if %cond3A_345 {
        %mul3A_352 = arith.constant 2 : i32
        %mul3A_353 = arith.muli %mul3A_352, %scan3A_285 : i32
        %mul3A_354 = arith.constant 128 : i32
        %mul3A_355 = arith.muli %mul3A_353, %mul3A_354 : i32
        %dma_start3A_356 = tpu.memref_slice %arg7[%mul3A_355] : memref<10112xi32, #tpu.memory_space<vmem>> -> memref<128xi32, #tpu.memory_space<vmem>>
        %dma_start3A_357 = arith.constant 0 : i32
        %dma_start3A_358 = tpu.memref_slice %arg11[%dma_start3A_357] : memref<10240xf32, #tpu.memory_space<vmem_shared>> -> memref<10240xf32, #tpu.memory_space<vmem_shared>>
        tpu.enqueue_indirect_dma source(%arg9 : memref<128xf32, #tpu.memory_space<vmem>>) target(%dma_start3A_358 : memref<10240xf32, #tpu.memory_space<vmem_shared>>) offsets(%dma_start3A_356 : memref<128xi32, #tpu.memory_space<vmem>>) semaphore(%arg14 : memref<!tpu.dma_semaphore, #tpu.memory_space<semaphore_mem>>) {add = true}
        %mul3A_359 = arith.constant 2 : i32
        %mul3A_360 = arith.muli %mul3A_359, %scan3A_285 : i32
        %add3A_361 = arith.constant 1 : i32
        %add3A_362 = arith.addi %mul3A_360, %add3A_361 : i32
        %mul3A_363 = arith.constant 128 : i32
        %mul3A_364 = arith.muli %add3A_362, %mul3A_363 : i32
        %dma_start3A_365 = tpu.memref_slice %arg7[%mul3A_364] : memref<10112xi32, #tpu.memory_space<vmem>> -> memref<128xi32, #tpu.memory_space<vmem>>
        %dma_start3A_366 = arith.constant 0 : i32
        %dma_start3A_367 = tpu.memref_slice %arg11[%dma_start3A_366] : memref<10240xf32, #tpu.memory_space<vmem_shared>> -> memref<10240xf32, #tpu.memory_space<vmem_shared>>
        tpu.enqueue_indirect_dma source(%arg9 : memref<128xf32, #tpu.memory_space<vmem>>) target(%dma_start3A_367 : memref<10240xf32, #tpu.memory_space<vmem_shared>>) offsets(%dma_start3A_365 : memref<128xi32, #tpu.memory_space<vmem>>) semaphore(%arg14 : memref<!tpu.dma_semaphore, #tpu.memory_space<semaphore_mem>>) {add = true}
      } else {
      }
      %gt3A = arith.constant 0 : i32
      %gt3A_346 = arith.cmpi sgt, %scan3A_285, %gt3A : i32
      %lt3A_347 = arith.constant 40 : i32
      %lt3A_348 = arith.cmpi slt, %scan3A_285, %lt3A_347 : i32
      %and3A = arith.andi %gt3A_346, %lt3A_348 : i1
      %convert_element_type3A_349 = arith.extui %and3A : i1 to i32
      %cond3A_350 = arith.constant 0 : i32
      %cond3A_351 = arith.cmpi ne, %convert_element_type3A_349, %cond3A_350 : i32
      scf.if %cond3A_351 {
        %dma_wait3A_352 = arith.constant 0 : i32
        %dma_wait3A_353 = tpu.memref_slice %arg7[%dma_wait3A_352] : memref<10112xi32, #tpu.memory_space<vmem>> -> memref<128xi32, #tpu.memory_space<vmem>>
        %dma_wait3A_354 = arith.constant 0 : i32
        %dma_wait3A_355 = tpu.memref_slice %arg11[%dma_wait3A_354] : memref<10240xf32, #tpu.memory_space<vmem_shared>> -> memref<10240xf32, #tpu.memory_space<vmem_shared>>
        tpu.wait_indirect_dma semaphore(%arg14 : memref<!tpu.dma_semaphore, #tpu.memory_space<semaphore_mem>>) src(%arg9 : memref<128xf32, #tpu.memory_space<vmem>>) dst(%dma_wait3A_355 : memref<10240xf32, #tpu.memory_space<vmem_shared>>)
        %dma_wait3A_356 = arith.constant 0 : i32
        %dma_wait3A_357 = tpu.memref_slice %arg7[%dma_wait3A_356] : memref<10112xi32, #tpu.memory_space<vmem>> -> memref<128xi32, #tpu.memory_space<vmem>>
        %dma_wait3A_358 = arith.constant 0 : i32
        %dma_wait3A_359 = tpu.memref_slice %arg11[%dma_wait3A_358] : memref<10240xf32, #tpu.memory_space<vmem_shared>> -> memref<10240xf32, #tpu.memory_space<vmem_shared>>
        tpu.wait_indirect_dma semaphore(%arg14 : memref<!tpu.dma_semaphore, #tpu.memory_space<semaphore_mem>>) src(%arg9 : memref<128xf32, #tpu.memory_space<vmem>>) dst(%dma_wait3A_359 : memref<10240xf32, #tpu.memory_space<vmem_shared>>)
      } else {
      }
    }
    %scan3A_78 = arith.constant 61 : i32
    %dma_start3A_79 = arith.constant 1 : i32
    %dma_start3A_80 = arith.constant 0 : i32
    %dma_start3A_81 = arith.constant 0 : i32
    %dma_start3A_82 = tpu.memref_slice %arg8[%dma_start3A_79, %dma_start3A_80, %dma_start3A_81] : memref<2x80x128xf32, #tpu.memory_space<vmem>> -> memref<1x80x128xf32, #tpu.memory_space<vmem>>
    %dma_start3A_83 = tpu.memref_squeeze %dma_start3A_82 : memref<1x80x128xf32, #tpu.memory_space<vmem>> -> memref<80x128xf32, #tpu.memory_space<vmem>>
    %dma_start3A_84 = arith.constant 9840 : i32
    %dma_start3A_85 = tpu.memref_slice %arg6[%dma_start3A_84] : memref<10112xi32, #tpu.memory_space<vmem>> -> memref<80xi32, #tpu.memory_space<vmem>>
    %dma_start3A_86 = arith.constant 0 : i32
    %dma_start3A_87 = arith.constant 0 : i32
    %dma_start3A_88 = tpu.memref_slice %arg2[%dma_start3A_86, %dma_start3A_87] : memref<10000x128xf32, #tpu.memory_space<hbm>> -> memref<10000x128xf32, #tpu.memory_space<hbm>>
    tpu.enqueue_indirect_dma source(%dma_start3A_88 : memref<10000x128xf32, #tpu.memory_space<hbm>>) target(%dma_start3A_83 : memref<80x128xf32, #tpu.memory_space<vmem>>) offsets(%dma_start3A_85 : memref<80xi32, #tpu.memory_space<vmem>>) semaphore(%arg13 : memref<!tpu.dma_semaphore, #tpu.memory_space<semaphore_mem>>)
    %dma_wait3A = arith.constant 0 : i32
    %dma_wait3A_89 = arith.constant 0 : i32
    %dma_wait3A_90 = arith.constant 0 : i32
    %dma_wait3A_91 = tpu.memref_slice %arg8[%dma_wait3A, %dma_wait3A_89, %dma_wait3A_90] : memref<2x80x128xf32, #tpu.memory_space<vmem>> -> memref<1x80x128xf32, #tpu.memory_space<vmem>>
    %dma_wait3A_92 = tpu.memref_squeeze %dma_wait3A_91 : memref<1x80x128xf32, #tpu.memory_space<vmem>> -> memref<80x128xf32, #tpu.memory_space<vmem>>
    %dma_wait3A_93 = arith.constant 0 : i32
    %dma_wait3A_94 = tpu.memref_slice %arg6[%dma_wait3A_93] : memref<10112xi32, #tpu.memory_space<vmem>> -> memref<80xi32, #tpu.memory_space<vmem>>
    %dma_wait3A_95 = arith.constant 0 : i32
    %dma_wait3A_96 = arith.constant 0 : i32
    %dma_wait3A_97 = tpu.memref_slice %arg2[%dma_wait3A_95, %dma_wait3A_96] : memref<10000x128xf32, #tpu.memory_space<hbm>> -> memref<10000x128xf32, #tpu.memory_space<hbm>>
    tpu.wait_indirect_dma semaphore(%arg12 : memref<!tpu.dma_semaphore, #tpu.memory_space<semaphore_mem>>) src(%dma_wait3A_97 : memref<10000x128xf32, #tpu.memory_space<hbm>>) dst(%dma_wait3A_92 : memref<80x128xf32, #tpu.memory_space<vmem>>)
    %run_scoped3A_98 = arith.constant 0 : i32
    "tpu.region"() ({
      %run_scoped3A_285 = tpu.sem_alloc : memref<!tpu.dma_semaphore, #tpu.memory_space<semaphore_mem>>
      %dma_start3A_286 = arith.constant 0 : i32
      %dma_start3A_287 = arith.constant 0 : i32
      %dma_start3A_288 = tpu.memref_slice %arg8[%run_scoped3A_98, %dma_start3A_286, %dma_start3A_287] : memref<2x80x128xf32, #tpu.memory_space<vmem>> -> memref<1x80x128xf32, #tpu.memory_space<vmem>>
      %dma_start3A_289 = tpu.memref_squeeze %dma_start3A_288 : memref<1x80x128xf32, #tpu.memory_space<vmem>> -> memref<80x128xf32, #tpu.memory_space<vmem>>
      %dma_start3A_290 = arith.constant 9760 : i32
      %dma_start3A_291 = tpu.memref_slice %arg7[%dma_start3A_290] : memref<10112xi32, #tpu.memory_space<vmem>> -> memref<80xi32, #tpu.memory_space<vmem>>
      %dma_start3A_292 = arith.constant 0 : i32
      %dma_start3A_293 = arith.constant 0 : i32
      %dma_start3A_294 = tpu.memref_slice %arg10[%dma_start3A_292, %dma_start3A_293] : memref<10240x128xf32, #tpu.memory_space<vmem_shared>> -> memref<10240x128xf32, #tpu.memory_space<vmem_shared>>
      tpu.enqueue_indirect_dma source(%dma_start3A_289 : memref<80x128xf32, #tpu.memory_space<vmem>>) target(%dma_start3A_294 : memref<10240x128xf32, #tpu.memory_space<vmem_shared>>) offsets(%dma_start3A_291 : memref<80xi32, #tpu.memory_space<vmem>>) semaphore(%run_scoped3A_285 : memref<!tpu.dma_semaphore, #tpu.memory_space<semaphore_mem>>) {add = true}
      %dma_wait3A_295 = arith.constant 0 : i32
      %dma_wait3A_296 = arith.constant 0 : i32
      %dma_wait3A_297 = tpu.memref_slice %arg8[%run_scoped3A_98, %dma_wait3A_295, %dma_wait3A_296] : memref<2x80x128xf32, #tpu.memory_space<vmem>> -> memref<1x80x128xf32, #tpu.memory_space<vmem>>
      %dma_wait3A_298 = tpu.memref_squeeze %dma_wait3A_297 : memref<1x80x128xf32, #tpu.memory_space<vmem>> -> memref<80x128xf32, #tpu.memory_space<vmem>>
      %dma_wait3A_299 = arith.constant 9760 : i32
      %dma_wait3A_300 = tpu.memref_slice %arg7[%dma_wait3A_299] : memref<10112xi32, #tpu.memory_space<vmem>> -> memref<80xi32, #tpu.memory_space<vmem>>
      %dma_wait3A_301 = arith.constant 0 : i32
      %dma_wait3A_302 = arith.constant 0 : i32
      %dma_wait3A_303 = tpu.memref_slice %arg10[%dma_wait3A_301, %dma_wait3A_302] : memref<10240x128xf32, #tpu.memory_space<vmem_shared>> -> memref<10240x128xf32, #tpu.memory_space<vmem_shared>>
      tpu.wait_indirect_dma semaphore(%run_scoped3A_285 : memref<!tpu.dma_semaphore, #tpu.memory_space<semaphore_mem>>) src(%dma_wait3A_298 : memref<80x128xf32, #tpu.memory_space<vmem>>) dst(%dma_wait3A_303 : memref<10240x128xf32, #tpu.memory_space<vmem_shared>>)
      tpu.yield
    }) : () -> ()
    %dma_start3A_99 = arith.constant 0 : i32
    %dma_start3A_100 = arith.constant 0 : i32
    %dma_start3A_101 = arith.constant 0 : i32
    %dma_start3A_102 = tpu.memref_slice %arg8[%dma_start3A_99, %dma_start3A_100, %dma_start3A_101] : memref<2x80x128xf32, #tpu.memory_space<vmem>> -> memref<1x80x128xf32, #tpu.memory_space<vmem>>
    %dma_start3A_103 = tpu.memref_squeeze %dma_start3A_102 : memref<1x80x128xf32, #tpu.memory_space<vmem>> -> memref<80x128xf32, #tpu.memory_space<vmem>>
    %dma_start3A_104 = arith.constant 9920 : i32
    %dma_start3A_105 = tpu.memref_slice %arg6[%dma_start3A_104] : memref<10112xi32, #tpu.memory_space<vmem>> -> memref<80xi32, #tpu.memory_space<vmem>>
    %dma_start3A_106 = arith.constant 0 : i32
    %dma_start3A_107 = arith.constant 0 : i32
    %dma_start3A_108 = tpu.memref_slice %arg2[%dma_start3A_106, %dma_start3A_107] : memref<10000x128xf32, #tpu.memory_space<hbm>> -> memref<10000x128xf32, #tpu.memory_space<hbm>>
    tpu.enqueue_indirect_dma source(%dma_start3A_108 : memref<10000x128xf32, #tpu.memory_space<hbm>>) target(%dma_start3A_103 : memref<80x128xf32, #tpu.memory_space<vmem>>) offsets(%dma_start3A_105 : memref<80xi32, #tpu.memory_space<vmem>>) semaphore(%arg12 : memref<!tpu.dma_semaphore, #tpu.memory_space<semaphore_mem>>)
    %dma_wait3A_109 = arith.constant 1 : i32
    %dma_wait3A_110 = arith.constant 0 : i32
    %dma_wait3A_111 = arith.constant 0 : i32
    %dma_wait3A_112 = tpu.memref_slice %arg8[%dma_wait3A_109, %dma_wait3A_110, %dma_wait3A_111] : memref<2x80x128xf32, #tpu.memory_space<vmem>> -> memref<1x80x128xf32, #tpu.memory_space<vmem>>
    %dma_wait3A_113 = tpu.memref_squeeze %dma_wait3A_112 : memref<1x80x128xf32, #tpu.memory_space<vmem>> -> memref<80x128xf32, #tpu.memory_space<vmem>>
    %dma_wait3A_114 = arith.constant 0 : i32
    %dma_wait3A_115 = tpu.memref_slice %arg6[%dma_wait3A_114] : memref<10112xi32, #tpu.memory_space<vmem>> -> memref<80xi32, #tpu.memory_space<vmem>>
    %dma_wait3A_116 = arith.constant 0 : i32
    %dma_wait3A_117 = arith.constant 0 : i32
    %dma_wait3A_118 = tpu.memref_slice %arg2[%dma_wait3A_116, %dma_wait3A_117] : memref<10000x128xf32, #tpu.memory_space<hbm>> -> memref<10000x128xf32, #tpu.memory_space<hbm>>
    tpu.wait_indirect_dma semaphore(%arg13 : memref<!tpu.dma_semaphore, #tpu.memory_space<semaphore_mem>>) src(%dma_wait3A_118 : memref<10000x128xf32, #tpu.memory_space<hbm>>) dst(%dma_wait3A_113 : memref<80x128xf32, #tpu.memory_space<vmem>>)
    %run_scoped3A_119 = arith.constant 1 : i32
    "tpu.region"() ({
      %run_scoped3A_285 = tpu.sem_alloc : memref<!tpu.dma_semaphore, #tpu.memory_space<semaphore_mem>>
      %dma_start3A_286 = arith.constant 0 : i32
      %dma_start3A_287 = arith.constant 0 : i32
      %dma_start3A_288 = tpu.memref_slice %arg8[%run_scoped3A_119, %dma_start3A_286, %dma_start3A_287] : memref<2x80x128xf32, #tpu.memory_space<vmem>> -> memref<1x80x128xf32, #tpu.memory_space<vmem>>
      %dma_start3A_289 = tpu.memref_squeeze %dma_start3A_288 : memref<1x80x128xf32, #tpu.memory_space<vmem>> -> memref<80x128xf32, #tpu.memory_space<vmem>>
      %dma_start3A_290 = arith.constant 9840 : i32
      %dma_start3A_291 = tpu.memref_slice %arg7[%dma_start3A_290] : memref<10112xi32, #tpu.memory_space<vmem>> -> memref<80xi32, #tpu.memory_space<vmem>>
      %dma_start3A_292 = arith.constant 0 : i32
      %dma_start3A_293 = arith.constant 0 : i32
      %dma_start3A_294 = tpu.memref_slice %arg10[%dma_start3A_292, %dma_start3A_293] : memref<10240x128xf32, #tpu.memory_space<vmem_shared>> -> memref<10240x128xf32, #tpu.memory_space<vmem_shared>>
      tpu.enqueue_indirect_dma source(%dma_start3A_289 : memref<80x128xf32, #tpu.memory_space<vmem>>) target(%dma_start3A_294 : memref<10240x128xf32, #tpu.memory_space<vmem_shared>>) offsets(%dma_start3A_291 : memref<80xi32, #tpu.memory_space<vmem>>) semaphore(%run_scoped3A_285 : memref<!tpu.dma_semaphore, #tpu.memory_space<semaphore_mem>>) {add = true}
      %dma_wait3A_295 = arith.constant 0 : i32
      %dma_wait3A_296 = arith.constant 0 : i32
      %dma_wait3A_297 = tpu.memref_slice %arg8[%run_scoped3A_119, %dma_wait3A_295, %dma_wait3A_296] : memref<2x80x128xf32, #tpu.memory_space<vmem>> -> memref<1x80x128xf32, #tpu.memory_space<vmem>>
      %dma_wait3A_298 = tpu.memref_squeeze %dma_wait3A_297 : memref<1x80x128xf32, #tpu.memory_space<vmem>> -> memref<80x128xf32, #tpu.memory_space<vmem>>
      %dma_wait3A_299 = arith.constant 9840 : i32
      %dma_wait3A_300 = tpu.memref_slice %arg7[%dma_wait3A_299] : memref<10112xi32, #tpu.memory_space<vmem>> -> memref<80xi32, #tpu.memory_space<vmem>>
      %dma_wait3A_301 = arith.constant 0 : i32
      %dma_wait3A_302 = arith.constant 0 : i32
      %dma_wait3A_303 = tpu.memref_slice %arg10[%dma_wait3A_301, %dma_wait3A_302] : memref<10240x128xf32, #tpu.memory_space<vmem_shared>> -> memref<10240x128xf32, #tpu.memory_space<vmem_shared>>
      tpu.wait_indirect_dma semaphore(%run_scoped3A_285 : memref<!tpu.dma_semaphore, #tpu.memory_space<semaphore_mem>>) src(%dma_wait3A_298 : memref<80x128xf32, #tpu.memory_space<vmem>>) dst(%dma_wait3A_303 : memref<10240x128xf32, #tpu.memory_space<vmem_shared>>)
      tpu.yield
    }) : () -> ()
    %dma_wait3A_120 = arith.constant 0 : i32
    %dma_wait3A_121 = arith.constant 0 : i32
    %dma_wait3A_122 = arith.constant 0 : i32
    %dma_wait3A_123 = tpu.memref_slice %arg8[%dma_wait3A_120, %dma_wait3A_121, %dma_wait3A_122] : memref<2x80x128xf32, #tpu.memory_space<vmem>> -> memref<1x80x128xf32, #tpu.memory_space<vmem>>
    %dma_wait3A_124 = tpu.memref_squeeze %dma_wait3A_123 : memref<1x80x128xf32, #tpu.memory_space<vmem>> -> memref<80x128xf32, #tpu.memory_space<vmem>>
    %dma_wait3A_125 = arith.constant 0 : i32
    %dma_wait3A_126 = tpu.memref_slice %arg6[%dma_wait3A_125] : memref<10112xi32, #tpu.memory_space<vmem>> -> memref<80xi32, #tpu.memory_space<vmem>>
    %dma_wait3A_127 = arith.constant 0 : i32
    %dma_wait3A_128 = arith.constant 0 : i32
    %dma_wait3A_129 = tpu.memref_slice %arg2[%dma_wait3A_127, %dma_wait3A_128] : memref<10000x128xf32, #tpu.memory_space<hbm>> -> memref<10000x128xf32, #tpu.memory_space<hbm>>
    tpu.wait_indirect_dma semaphore(%arg12 : memref<!tpu.dma_semaphore, #tpu.memory_space<semaphore_mem>>) src(%dma_wait3A_129 : memref<10000x128xf32, #tpu.memory_space<hbm>>) dst(%dma_wait3A_124 : memref<80x128xf32, #tpu.memory_space<vmem>>)
    %run_scoped3A_130 = arith.constant 0 : i32
    "tpu.region"() ({
      %run_scoped3A_285 = tpu.sem_alloc : memref<!tpu.dma_semaphore, #tpu.memory_space<semaphore_mem>>
      %dma_start3A_286 = arith.constant 0 : i32
      %dma_start3A_287 = arith.constant 0 : i32
      %dma_start3A_288 = tpu.memref_slice %arg8[%run_scoped3A_130, %dma_start3A_286, %dma_start3A_287] : memref<2x80x128xf32, #tpu.memory_space<vmem>> -> memref<1x80x128xf32, #tpu.memory_space<vmem>>
      %dma_start3A_289 = tpu.memref_squeeze %dma_start3A_288 : memref<1x80x128xf32, #tpu.memory_space<vmem>> -> memref<80x128xf32, #tpu.memory_space<vmem>>
      %dma_start3A_290 = arith.constant 9920 : i32
      %dma_start3A_291 = tpu.memref_slice %arg7[%dma_start3A_290] : memref<10112xi32, #tpu.memory_space<vmem>> -> memref<80xi32, #tpu.memory_space<vmem>>
      %dma_start3A_292 = arith.constant 0 : i32
      %dma_start3A_293 = arith.constant 0 : i32
      %dma_start3A_294 = tpu.memref_slice %arg10[%dma_start3A_292, %dma_start3A_293] : memref<10240x128xf32, #tpu.memory_space<vmem_shared>> -> memref<10240x128xf32, #tpu.memory_space<vmem_shared>>
      tpu.enqueue_indirect_dma source(%dma_start3A_289 : memref<80x128xf32, #tpu.memory_space<vmem>>) target(%dma_start3A_294 : memref<10240x128xf32, #tpu.memory_space<vmem_shared>>) offsets(%dma_start3A_291 : memref<80xi32, #tpu.memory_space<vmem>>) semaphore(%run_scoped3A_285 : memref<!tpu.dma_semaphore, #tpu.memory_space<semaphore_mem>>) {add = true}
      %dma_wait3A_295 = arith.constant 0 : i32
      %dma_wait3A_296 = arith.constant 0 : i32
      %dma_wait3A_297 = tpu.memref_slice %arg8[%run_scoped3A_130, %dma_wait3A_295, %dma_wait3A_296] : memref<2x80x128xf32, #tpu.memory_space<vmem>> -> memref<1x80x128xf32, #tpu.memory_space<vmem>>
      %dma_wait3A_298 = tpu.memref_squeeze %dma_wait3A_297 : memref<1x80x128xf32, #tpu.memory_space<vmem>> -> memref<80x128xf32, #tpu.memory_space<vmem>>
      %dma_wait3A_299 = arith.constant 9920 : i32
      %dma_wait3A_300 = tpu.memref_slice %arg7[%dma_wait3A_299] : memref<10112xi32, #tpu.memory_space<vmem>> -> memref<80xi32, #tpu.memory_space<vmem>>
      %dma_wait3A_301 = arith.constant 0 : i32
      %dma_wait3A_302 = arith.constant 0 : i32
      %dma_wait3A_303 = tpu.memref_slice %arg10[%dma_wait3A_301, %dma_wait3A_302] : memref<10240x128xf32, #tpu.memory_space<vmem_shared>> -> memref<10240x128xf32, #tpu.memory_space<vmem_shared>>
      tpu.wait_indirect_dma semaphore(%run_scoped3A_285 : memref<!tpu.dma_semaphore, #tpu.memory_space<semaphore_mem>>) src(%dma_wait3A_298 : memref<80x128xf32, #tpu.memory_space<vmem>>) dst(%dma_wait3A_303 : memref<10240x128xf32, #tpu.memory_space<vmem_shared>>)
      tpu.yield
    }) : () -> ()
    %dma_start3A_131 = arith.constant 0 : i32
    %dma_start3A_132 = tpu.memref_slice %arg9[%dma_start3A_131] : memref<128xf32, #tpu.memory_space<vmem>> -> memref<16xf32, #tpu.memory_space<vmem>>
    %dma_start3A_133 = arith.constant 9984 : i32
    %dma_start3A_134 = tpu.memref_slice %arg7[%dma_start3A_133] : memref<10112xi32, #tpu.memory_space<vmem>> -> memref<16xi32, #tpu.memory_space<vmem>>
    %dma_start3A_135 = arith.constant 0 : i32
    %dma_start3A_136 = tpu.memref_slice %arg11[%dma_start3A_135] : memref<10240xf32, #tpu.memory_space<vmem_shared>> -> memref<10240xf32, #tpu.memory_space<vmem_shared>>
    tpu.enqueue_indirect_dma source(%dma_start3A_132 : memref<16xf32, #tpu.memory_space<vmem>>) target(%dma_start3A_136 : memref<10240xf32, #tpu.memory_space<vmem_shared>>) offsets(%dma_start3A_134 : memref<16xi32, #tpu.memory_space<vmem>>) semaphore(%arg14 : memref<!tpu.dma_semaphore, #tpu.memory_space<semaphore_mem>>) {add = true}
    %dma_wait3A_137 = arith.constant 0 : i32
    %dma_wait3A_138 = tpu.memref_slice %arg9[%dma_wait3A_137] : memref<128xf32, #tpu.memory_space<vmem>> -> memref<16xf32, #tpu.memory_space<vmem>>
    %dma_wait3A_139 = arith.constant 9984 : i32
    %dma_wait3A_140 = tpu.memref_slice %arg7[%dma_wait3A_139] : memref<10112xi32, #tpu.memory_space<vmem>> -> memref<16xi32, #tpu.memory_space<vmem>>
    %dma_wait3A_141 = arith.constant 0 : i32
    %dma_wait3A_142 = tpu.memref_slice %arg11[%dma_wait3A_141] : memref<10240xf32, #tpu.memory_space<vmem_shared>> -> memref<10240xf32, #tpu.memory_space<vmem_shared>>
    tpu.wait_indirect_dma semaphore(%arg14 : memref<!tpu.dma_semaphore, #tpu.memory_space<semaphore_mem>>) src(%dma_wait3A_138 : memref<16xf32, #tpu.memory_space<vmem>>) dst(%dma_wait3A_142 : memref<10240xf32, #tpu.memory_space<vmem_shared>>)
    %barrier3A_143 = arith.constant 0 : index
    tpu.barrier barrier_id(%barrier3A_143)
    %add3A_144 = arith.constant 0 : i32
    %add3A_145 = arith.addi %mul3A_2, %add3A_144 : i32
    %add3A_146 = arith.constant 80 : i32
    %add3A_147 = arith.addi %add3A_145, %add3A_146 : i32
    %le3A = arith.constant 10000 : i32
    %le3A_148 = arith.cmpi sle, %add3A_147, %le3A : i32
    %convert_element_type3A = arith.extui %le3A_148 : i1 to i32
    %cond3A = arith.constant 0 : i32
    %cond3A_149 = arith.cmpi ne, %convert_element_type3A, %cond3A : i32
    scf.if %cond3A_149 {
      %dma_start3A_285 = arith.constant 0 : i32
      %dma_start3A_286 = tpu.memref_slice %arg4[%arg0, %add3A_145, %dma_start3A_285] : memref<2x10000x128xf32, #tpu.memory_space<hbm>> -> memref<1x80x128xf32, #tpu.memory_space<hbm>>
      %dma_start3A_287 = tpu.memref_squeeze %dma_start3A_286 : memref<1x80x128xf32, #tpu.memory_space<hbm>> -> memref<80x128xf32, #tpu.memory_space<hbm>>
      %dma_start3A_288 = arith.constant 0 : i32
      %dma_start3A_289 = tpu.memref_slice %arg10[%add3A_145, %dma_start3A_288] : memref<10240x128xf32, #tpu.memory_space<vmem_shared>> -> memref<80x128xf32, #tpu.memory_space<vmem_shared>>
      tpu.enqueue_dma source(%dma_start3A_289 : memref<80x128xf32, #tpu.memory_space<vmem_shared>>) target(%dma_start3A_287 : memref<80x128xf32, #tpu.memory_space<hbm>>) target_semaphore(%arg13 : memref<!tpu.dma_semaphore, #tpu.memory_space<semaphore_mem>>)
    } else {
    }
    %add3A_150 = arith.constant 80 : i32
    %add3A_151 = arith.addi %mul3A_2, %add3A_150 : i32
    %add3A_152 = arith.constant 80 : i32
    %add3A_153 = arith.addi %add3A_151, %add3A_152 : i32
    %le3A_154 = arith.constant 10000 : i32
    %le3A_155 = arith.cmpi sle, %add3A_153, %le3A_154 : i32
    %convert_element_type3A_156 = arith.extui %le3A_155 : i1 to i32
    %cond3A_157 = arith.constant 0 : i32
    %cond3A_158 = arith.cmpi ne, %convert_element_type3A_156, %cond3A_157 : i32
    scf.if %cond3A_158 {
      %dma_start3A_285 = arith.constant 0 : i32
      %dma_start3A_286 = tpu.memref_slice %arg4[%arg0, %add3A_151, %dma_start3A_285] : memref<2x10000x128xf32, #tpu.memory_space<hbm>> -> memref<1x80x128xf32, #tpu.memory_space<hbm>>
      %dma_start3A_287 = tpu.memref_squeeze %dma_start3A_286 : memref<1x80x128xf32, #tpu.memory_space<hbm>> -> memref<80x128xf32, #tpu.memory_space<hbm>>
      %dma_start3A_288 = arith.constant 0 : i32
      %dma_start3A_289 = tpu.memref_slice %arg10[%add3A_151, %dma_start3A_288] : memref<10240x128xf32, #tpu.memory_space<vmem_shared>> -> memref<80x128xf32, #tpu.memory_space<vmem_shared>>
      tpu.enqueue_dma source(%dma_start3A_289 : memref<80x128xf32, #tpu.memory_space<vmem_shared>>) target(%dma_start3A_287 : memref<80x128xf32, #tpu.memory_space<hbm>>) target_semaphore(%arg13 : memref<!tpu.dma_semaphore, #tpu.memory_space<semaphore_mem>>)
    } else {
    }
    %add3A_159 = arith.constant 160 : i32
    %add3A_160 = arith.addi %mul3A_2, %add3A_159 : i32
    %add3A_161 = arith.constant 80 : i32
    %add3A_162 = arith.addi %add3A_160, %add3A_161 : i32
    %le3A_163 = arith.constant 10000 : i32
    %le3A_164 = arith.cmpi sle, %add3A_162, %le3A_163 : i32
    %convert_element_type3A_165 = arith.extui %le3A_164 : i1 to i32
    %cond3A_166 = arith.constant 0 : i32
    %cond3A_167 = arith.cmpi ne, %convert_element_type3A_165, %cond3A_166 : i32
    scf.if %cond3A_167 {
      %dma_start3A_285 = arith.constant 0 : i32
      %dma_start3A_286 = tpu.memref_slice %arg4[%arg0, %add3A_160, %dma_start3A_285] : memref<2x10000x128xf32, #tpu.memory_space<hbm>> -> memref<1x80x128xf32, #tpu.memory_space<hbm>>
      %dma_start3A_287 = tpu.memref_squeeze %dma_start3A_286 : memref<1x80x128xf32, #tpu.memory_space<hbm>> -> memref<80x128xf32, #tpu.memory_space<hbm>>
      %dma_start3A_288 = arith.constant 0 : i32
      %dma_start3A_289 = tpu.memref_slice %arg10[%add3A_160, %dma_start3A_288] : memref<10240x128xf32, #tpu.memory_space<vmem_shared>> -> memref<80x128xf32, #tpu.memory_space<vmem_shared>>
      tpu.enqueue_dma source(%dma_start3A_289 : memref<80x128xf32, #tpu.memory_space<vmem_shared>>) target(%dma_start3A_287 : memref<80x128xf32, #tpu.memory_space<hbm>>) target_semaphore(%arg13 : memref<!tpu.dma_semaphore, #tpu.memory_space<semaphore_mem>>)
    } else {
    }
    %add3A_168 = arith.constant 240 : i32
    %add3A_169 = arith.addi %mul3A_2, %add3A_168 : i32
    %add3A_170 = arith.constant 80 : i32
    %add3A_171 = arith.addi %add3A_169, %add3A_170 : i32
    %le3A_172 = arith.constant 10000 : i32
    %le3A_173 = arith.cmpi sle, %add3A_171, %le3A_172 : i32
    %convert_element_type3A_174 = arith.extui %le3A_173 : i1 to i32
    %cond3A_175 = arith.constant 0 : i32
    %cond3A_176 = arith.cmpi ne, %convert_element_type3A_174, %cond3A_175 : i32
    scf.if %cond3A_176 {
      %dma_start3A_285 = arith.constant 0 : i32
      %dma_start3A_286 = tpu.memref_slice %arg4[%arg0, %add3A_169, %dma_start3A_285] : memref<2x10000x128xf32, #tpu.memory_space<hbm>> -> memref<1x80x128xf32, #tpu.memory_space<hbm>>
      %dma_start3A_287 = tpu.memref_squeeze %dma_start3A_286 : memref<1x80x128xf32, #tpu.memory_space<hbm>> -> memref<80x128xf32, #tpu.memory_space<hbm>>
      %dma_start3A_288 = arith.constant 0 : i32
      %dma_start3A_289 = tpu.memref_slice %arg10[%add3A_169, %dma_start3A_288] : memref<10240x128xf32, #tpu.memory_space<vmem_shared>> -> memref<80x128xf32, #tpu.memory_space<vmem_shared>>
      tpu.enqueue_dma source(%dma_start3A_289 : memref<80x128xf32, #tpu.memory_space<vmem_shared>>) target(%dma_start3A_287 : memref<80x128xf32, #tpu.memory_space<hbm>>) target_semaphore(%arg13 : memref<!tpu.dma_semaphore, #tpu.memory_space<semaphore_mem>>)
    } else {
    }
    %add3A_177 = arith.constant 320 : i32
    %add3A_178 = arith.addi %mul3A_2, %add3A_177 : i32
    %add3A_179 = arith.constant 80 : i32
    %add3A_180 = arith.addi %add3A_178, %add3A_179 : i32
    %le3A_181 = arith.constant 10000 : i32
    %le3A_182 = arith.cmpi sle, %add3A_180, %le3A_181 : i32
    %convert_element_type3A_183 = arith.extui %le3A_182 : i1 to i32
    %cond3A_184 = arith.constant 0 : i32
    %cond3A_185 = arith.cmpi ne, %convert_element_type3A_183, %cond3A_184 : i32
    scf.if %cond3A_185 {
      %dma_start3A_285 = arith.constant 0 : i32
      %dma_start3A_286 = tpu.memref_slice %arg4[%arg0, %add3A_178, %dma_start3A_285] : memref<2x10000x128xf32, #tpu.memory_space<hbm>> -> memref<1x80x128xf32, #tpu.memory_space<hbm>>
      %dma_start3A_287 = tpu.memref_squeeze %dma_start3A_286 : memref<1x80x128xf32, #tpu.memory_space<hbm>> -> memref<80x128xf32, #tpu.memory_space<hbm>>
      %dma_start3A_288 = arith.constant 0 : i32
      %dma_start3A_289 = tpu.memref_slice %arg10[%add3A_178, %dma_start3A_288] : memref<10240x128xf32, #tpu.memory_space<vmem_shared>> -> memref<80x128xf32, #tpu.memory_space<vmem_shared>>
      tpu.enqueue_dma source(%dma_start3A_289 : memref<80x128xf32, #tpu.memory_space<vmem_shared>>) target(%dma_start3A_287 : memref<80x128xf32, #tpu.memory_space<hbm>>) target_semaphore(%arg13 : memref<!tpu.dma_semaphore, #tpu.memory_space<semaphore_mem>>)
    } else {
    }
    %add3A_186 = arith.constant 400 : i32
    %add3A_187 = arith.addi %mul3A_2, %add3A_186 : i32
    %add3A_188 = arith.constant 80 : i32
    %add3A_189 = arith.addi %add3A_187, %add3A_188 : i32
    %le3A_190 = arith.constant 10000 : i32
    %le3A_191 = arith.cmpi sle, %add3A_189, %le3A_190 : i32
    %convert_element_type3A_192 = arith.extui %le3A_191 : i1 to i32
    %cond3A_193 = arith.constant 0 : i32
    %cond3A_194 = arith.cmpi ne, %convert_element_type3A_192, %cond3A_193 : i32
    scf.if %cond3A_194 {
      %dma_start3A_285 = arith.constant 0 : i32
      %dma_start3A_286 = tpu.memref_slice %arg4[%arg0, %add3A_187, %dma_start3A_285] : memref<2x10000x128xf32, #tpu.memory_space<hbm>> -> memref<1x80x128xf32, #tpu.memory_space<hbm>>
      %dma_start3A_287 = tpu.memref_squeeze %dma_start3A_286 : memref<1x80x128xf32, #tpu.memory_space<hbm>> -> memref<80x128xf32, #tpu.memory_space<hbm>>
      %dma_start3A_288 = arith.constant 0 : i32
      %dma_start3A_289 = tpu.memref_slice %arg10[%add3A_187, %dma_start3A_288] : memref<10240x128xf32, #tpu.memory_space<vmem_shared>> -> memref<80x128xf32, #tpu.memory_space<vmem_shared>>
      tpu.enqueue_dma source(%dma_start3A_289 : memref<80x128xf32, #tpu.memory_space<vmem_shared>>) target(%dma_start3A_287 : memref<80x128xf32, #tpu.memory_space<hbm>>) target_semaphore(%arg13 : memref<!tpu.dma_semaphore, #tpu.memory_space<semaphore_mem>>)
    } else {
    }
    %add3A_195 = arith.constant 480 : i32
    %add3A_196 = arith.addi %mul3A_2, %add3A_195 : i32
    %add3A_197 = arith.constant 80 : i32
    %add3A_198 = arith.addi %add3A_196, %add3A_197 : i32
    %le3A_199 = arith.constant 10000 : i32
    %le3A_200 = arith.cmpi sle, %add3A_198, %le3A_199 : i32
    %convert_element_type3A_201 = arith.extui %le3A_200 : i1 to i32
    %cond3A_202 = arith.constant 0 : i32
    %cond3A_203 = arith.cmpi ne, %convert_element_type3A_201, %cond3A_202 : i32
    scf.if %cond3A_203 {
      %dma_start3A_285 = arith.constant 0 : i32
      %dma_start3A_286 = tpu.memref_slice %arg4[%arg0, %add3A_196, %dma_start3A_285] : memref<2x10000x128xf32, #tpu.memory_space<hbm>> -> memref<1x80x128xf32, #tpu.memory_space<hbm>>
      %dma_start3A_287 = tpu.memref_squeeze %dma_start3A_286 : memref<1x80x128xf32, #tpu.memory_space<hbm>> -> memref<80x128xf32, #tpu.memory_space<hbm>>
      %dma_start3A_288 = arith.constant 0 : i32
      %dma_start3A_289 = tpu.memref_slice %arg10[%add3A_196, %dma_start3A_288] : memref<10240x128xf32, #tpu.memory_space<vmem_shared>> -> memref<80x128xf32, #tpu.memory_space<vmem_shared>>
      tpu.enqueue_dma source(%dma_start3A_289 : memref<80x128xf32, #tpu.memory_space<vmem_shared>>) target(%dma_start3A_287 : memref<80x128xf32, #tpu.memory_space<hbm>>) target_semaphore(%arg13 : memref<!tpu.dma_semaphore, #tpu.memory_space<semaphore_mem>>)
    } else {
    }
    %add3A_204 = arith.constant 560 : i32
    %add3A_205 = arith.addi %mul3A_2, %add3A_204 : i32
    %add3A_206 = arith.constant 80 : i32
    %add3A_207 = arith.addi %add3A_205, %add3A_206 : i32
    %le3A_208 = arith.constant 10000 : i32
    %le3A_209 = arith.cmpi sle, %add3A_207, %le3A_208 : i32
    %convert_element_type3A_210 = arith.extui %le3A_209 : i1 to i32
    %cond3A_211 = arith.constant 0 : i32
    %cond3A_212 = arith.cmpi ne, %convert_element_type3A_210, %cond3A_211 : i32
    scf.if %cond3A_212 {
      %dma_start3A_285 = arith.constant 0 : i32
      %dma_start3A_286 = tpu.memref_slice %arg4[%arg0, %add3A_205, %dma_start3A_285] : memref<2x10000x128xf32, #tpu.memory_space<hbm>> -> memref<1x80x128xf32, #tpu.memory_space<hbm>>
      %dma_start3A_287 = tpu.memref_squeeze %dma_start3A_286 : memref<1x80x128xf32, #tpu.memory_space<hbm>> -> memref<80x128xf32, #tpu.memory_space<hbm>>
      %dma_start3A_288 = arith.constant 0 : i32
      %dma_start3A_289 = tpu.memref_slice %arg10[%add3A_205, %dma_start3A_288] : memref<10240x128xf32, #tpu.memory_space<vmem_shared>> -> memref<80x128xf32, #tpu.memory_space<vmem_shared>>
      tpu.enqueue_dma source(%dma_start3A_289 : memref<80x128xf32, #tpu.memory_space<vmem_shared>>) target(%dma_start3A_287 : memref<80x128xf32, #tpu.memory_space<hbm>>) target_semaphore(%arg13 : memref<!tpu.dma_semaphore, #tpu.memory_space<semaphore_mem>>)
    } else {
    }
    "tpu.region"() ({
      %run_scoped3A_285 = tpu.sem_alloc : memref<!tpu.dma_semaphore, #tpu.memory_space<semaphore_mem>>
      %dma_start3A_286 = tpu.memref_slice %arg5[%arg0, %mul3A_2] : memref<2x10240xf32, #tpu.memory_space<hbm>> -> memref<1x640xf32, #tpu.memory_space<hbm>>
      %dma_start3A_287 = tpu.memref_squeeze %dma_start3A_286 : memref<1x640xf32, #tpu.memory_space<hbm>> -> memref<640xf32, #tpu.memory_space<hbm>>
      %dma_start3A_288 = tpu.memref_slice %arg11[%mul3A_2] : memref<10240xf32, #tpu.memory_space<vmem_shared>> -> memref<640xf32, #tpu.memory_space<vmem_shared>>
      tpu.enqueue_dma source(%dma_start3A_288 : memref<640xf32, #tpu.memory_space<vmem_shared>>) target(%dma_start3A_287 : memref<640xf32, #tpu.memory_space<hbm>>) target_semaphore(%run_scoped3A_285 : memref<!tpu.dma_semaphore, #tpu.memory_space<semaphore_mem>>)
      %dma_wait3A_289 = tpu.memref_slice %arg5[%arg0, %mul3A_2] : memref<2x10240xf32, #tpu.memory_space<hbm>> -> memref<1x640xf32, #tpu.memory_space<hbm>>
      %dma_wait3A_290 = tpu.memref_squeeze %dma_wait3A_289 : memref<1x640xf32, #tpu.memory_space<hbm>> -> memref<640xf32, #tpu.memory_space<hbm>>
      %dma_wait3A_291 = tpu.memref_slice %arg11[%mul3A_2] : memref<10240xf32, #tpu.memory_space<vmem_shared>> -> memref<640xf32, #tpu.memory_space<vmem_shared>>
      tpu.wait_dma2 semaphore(%run_scoped3A_285 : memref<!tpu.dma_semaphore, #tpu.memory_space<semaphore_mem>>) src(%dma_wait3A_291 : memref<640xf32, #tpu.memory_space<vmem_shared>>) dst(%dma_wait3A_290 : memref<640xf32, #tpu.memory_space<hbm>>)
      tpu.yield
    }) : () -> ()
    %add3A_213 = arith.constant 0 : i32
    %add3A_214 = arith.addi %mul3A_2, %add3A_213 : i32
    %add3A_215 = arith.constant 80 : i32
    %add3A_216 = arith.addi %add3A_214, %add3A_215 : i32
    %le3A_217 = arith.constant 10000 : i32
    %le3A_218 = arith.cmpi sle, %add3A_216, %le3A_217 : i32
    %convert_element_type3A_219 = arith.extui %le3A_218 : i1 to i32
    %cond3A_220 = arith.constant 0 : i32
    %cond3A_221 = arith.cmpi ne, %convert_element_type3A_219, %cond3A_220 : i32
    scf.if %cond3A_221 {
      %dma_wait3A_285 = arith.constant 0 : i32
      %dma_wait3A_286 = tpu.memref_slice %arg4[%arg0, %add3A_214, %dma_wait3A_285] : memref<2x10000x128xf32, #tpu.memory_space<hbm>> -> memref<1x80x128xf32, #tpu.memory_space<hbm>>
      %dma_wait3A_287 = tpu.memref_squeeze %dma_wait3A_286 : memref<1x80x128xf32, #tpu.memory_space<hbm>> -> memref<80x128xf32, #tpu.memory_space<hbm>>
      %dma_wait3A_288 = arith.constant 0 : i32
      %dma_wait3A_289 = tpu.memref_slice %arg10[%add3A_214, %dma_wait3A_288] : memref<10240x128xf32, #tpu.memory_space<vmem_shared>> -> memref<80x128xf32, #tpu.memory_space<vmem_shared>>
      tpu.wait_dma2 semaphore(%arg13 : memref<!tpu.dma_semaphore, #tpu.memory_space<semaphore_mem>>) src(%dma_wait3A_289 : memref<80x128xf32, #tpu.memory_space<vmem_shared>>) dst(%dma_wait3A_287 : memref<80x128xf32, #tpu.memory_space<hbm>>)
    } else {
    }
    %add3A_222 = arith.constant 80 : i32
    %add3A_223 = arith.addi %mul3A_2, %add3A_222 : i32
    %add3A_224 = arith.constant 80 : i32
    %add3A_225 = arith.addi %add3A_223, %add3A_224 : i32
    %le3A_226 = arith.constant 10000 : i32
    %le3A_227 = arith.cmpi sle, %add3A_225, %le3A_226 : i32
    %convert_element_type3A_228 = arith.extui %le3A_227 : i1 to i32
    %cond3A_229 = arith.constant 0 : i32
    %cond3A_230 = arith.cmpi ne, %convert_element_type3A_228, %cond3A_229 : i32
    scf.if %cond3A_230 {
      %dma_wait3A_285 = arith.constant 0 : i32
      %dma_wait3A_286 = tpu.memref_slice %arg4[%arg0, %add3A_223, %dma_wait3A_285] : memref<2x10000x128xf32, #tpu.memory_space<hbm>> -> memref<1x80x128xf32, #tpu.memory_space<hbm>>
      %dma_wait3A_287 = tpu.memref_squeeze %dma_wait3A_286 : memref<1x80x128xf32, #tpu.memory_space<hbm>> -> memref<80x128xf32, #tpu.memory_space<hbm>>
      %dma_wait3A_288 = arith.constant 0 : i32
      %dma_wait3A_289 = tpu.memref_slice %arg10[%add3A_223, %dma_wait3A_288] : memref<10240x128xf32, #tpu.memory_space<vmem_shared>> -> memref<80x128xf32, #tpu.memory_space<vmem_shared>>
      tpu.wait_dma2 semaphore(%arg13 : memref<!tpu.dma_semaphore, #tpu.memory_space<semaphore_mem>>) src(%dma_wait3A_289 : memref<80x128xf32, #tpu.memory_space<vmem_shared>>) dst(%dma_wait3A_287 : memref<80x128xf32, #tpu.memory_space<hbm>>)
    } else {
    }
    %add3A_231 = arith.constant 160 : i32
    %add3A_232 = arith.addi %mul3A_2, %add3A_231 : i32
    %add3A_233 = arith.constant 80 : i32
    %add3A_234 = arith.addi %add3A_232, %add3A_233 : i32
    %le3A_235 = arith.constant 10000 : i32
    %le3A_236 = arith.cmpi sle, %add3A_234, %le3A_235 : i32
    %convert_element_type3A_237 = arith.extui %le3A_236 : i1 to i32
    %cond3A_238 = arith.constant 0 : i32
    %cond3A_239 = arith.cmpi ne, %convert_element_type3A_237, %cond3A_238 : i32
    scf.if %cond3A_239 {
      %dma_wait3A_285 = arith.constant 0 : i32
      %dma_wait3A_286 = tpu.memref_slice %arg4[%arg0, %add3A_232, %dma_wait3A_285] : memref<2x10000x128xf32, #tpu.memory_space<hbm>> -> memref<1x80x128xf32, #tpu.memory_space<hbm>>
      %dma_wait3A_287 = tpu.memref_squeeze %dma_wait3A_286 : memref<1x80x128xf32, #tpu.memory_space<hbm>> -> memref<80x128xf32, #tpu.memory_space<hbm>>
      %dma_wait3A_288 = arith.constant 0 : i32
      %dma_wait3A_289 = tpu.memref_slice %arg10[%add3A_232, %dma_wait3A_288] : memref<10240x128xf32, #tpu.memory_space<vmem_shared>> -> memref<80x128xf32, #tpu.memory_space<vmem_shared>>
      tpu.wait_dma2 semaphore(%arg13 : memref<!tpu.dma_semaphore, #tpu.memory_space<semaphore_mem>>) src(%dma_wait3A_289 : memref<80x128xf32, #tpu.memory_space<vmem_shared>>) dst(%dma_wait3A_287 : memref<80x128xf32, #tpu.memory_space<hbm>>)
    } else {
    }
    %add3A_240 = arith.constant 240 : i32
    %add3A_241 = arith.addi %mul3A_2, %add3A_240 : i32
    %add3A_242 = arith.constant 80 : i32
    %add3A_243 = arith.addi %add3A_241, %add3A_242 : i32
    %le3A_244 = arith.constant 10000 : i32
    %le3A_245 = arith.cmpi sle, %add3A_243, %le3A_244 : i32
    %convert_element_type3A_246 = arith.extui %le3A_245 : i1 to i32
    %cond3A_247 = arith.constant 0 : i32
    %cond3A_248 = arith.cmpi ne, %convert_element_type3A_246, %cond3A_247 : i32
    scf.if %cond3A_248 {
      %dma_wait3A_285 = arith.constant 0 : i32
      %dma_wait3A_286 = tpu.memref_slice %arg4[%arg0, %add3A_241, %dma_wait3A_285] : memref<2x10000x128xf32, #tpu.memory_space<hbm>> -> memref<1x80x128xf32, #tpu.memory_space<hbm>>
      %dma_wait3A_287 = tpu.memref_squeeze %dma_wait3A_286 : memref<1x80x128xf32, #tpu.memory_space<hbm>> -> memref<80x128xf32, #tpu.memory_space<hbm>>
      %dma_wait3A_288 = arith.constant 0 : i32
      %dma_wait3A_289 = tpu.memref_slice %arg10[%add3A_241, %dma_wait3A_288] : memref<10240x128xf32, #tpu.memory_space<vmem_shared>> -> memref<80x128xf32, #tpu.memory_space<vmem_shared>>
      tpu.wait_dma2 semaphore(%arg13 : memref<!tpu.dma_semaphore, #tpu.memory_space<semaphore_mem>>) src(%dma_wait3A_289 : memref<80x128xf32, #tpu.memory_space<vmem_shared>>) dst(%dma_wait3A_287 : memref<80x128xf32, #tpu.memory_space<hbm>>)
    } else {
    }
    %add3A_249 = arith.constant 320 : i32
    %add3A_250 = arith.addi %mul3A_2, %add3A_249 : i32
    %add3A_251 = arith.constant 80 : i32
    %add3A_252 = arith.addi %add3A_250, %add3A_251 : i32
    %le3A_253 = arith.constant 10000 : i32
    %le3A_254 = arith.cmpi sle, %add3A_252, %le3A_253 : i32
    %convert_element_type3A_255 = arith.extui %le3A_254 : i1 to i32
    %cond3A_256 = arith.constant 0 : i32
    %cond3A_257 = arith.cmpi ne, %convert_element_type3A_255, %cond3A_256 : i32
    scf.if %cond3A_257 {
      %dma_wait3A_285 = arith.constant 0 : i32
      %dma_wait3A_286 = tpu.memref_slice %arg4[%arg0, %add3A_250, %dma_wait3A_285] : memref<2x10000x128xf32, #tpu.memory_space<hbm>> -> memref<1x80x128xf32, #tpu.memory_space<hbm>>
      %dma_wait3A_287 = tpu.memref_squeeze %dma_wait3A_286 : memref<1x80x128xf32, #tpu.memory_space<hbm>> -> memref<80x128xf32, #tpu.memory_space<hbm>>
      %dma_wait3A_288 = arith.constant 0 : i32
      %dma_wait3A_289 = tpu.memref_slice %arg10[%add3A_250, %dma_wait3A_288] : memref<10240x128xf32, #tpu.memory_space<vmem_shared>> -> memref<80x128xf32, #tpu.memory_space<vmem_shared>>
      tpu.wait_dma2 semaphore(%arg13 : memref<!tpu.dma_semaphore, #tpu.memory_space<semaphore_mem>>) src(%dma_wait3A_289 : memref<80x128xf32, #tpu.memory_space<vmem_shared>>) dst(%dma_wait3A_287 : memref<80x128xf32, #tpu.memory_space<hbm>>)
    } else {
    }
    %add3A_258 = arith.constant 400 : i32
    %add3A_259 = arith.addi %mul3A_2, %add3A_258 : i32
    %add3A_260 = arith.constant 80 : i32
    %add3A_261 = arith.addi %add3A_259, %add3A_260 : i32
    %le3A_262 = arith.constant 10000 : i32
    %le3A_263 = arith.cmpi sle, %add3A_261, %le3A_262 : i32
    %convert_element_type3A_264 = arith.extui %le3A_263 : i1 to i32
    %cond3A_265 = arith.constant 0 : i32
    %cond3A_266 = arith.cmpi ne, %convert_element_type3A_264, %cond3A_265 : i32
    scf.if %cond3A_266 {
      %dma_wait3A_285 = arith.constant 0 : i32
      %dma_wait3A_286 = tpu.memref_slice %arg4[%arg0, %add3A_259, %dma_wait3A_285] : memref<2x10000x128xf32, #tpu.memory_space<hbm>> -> memref<1x80x128xf32, #tpu.memory_space<hbm>>
      %dma_wait3A_287 = tpu.memref_squeeze %dma_wait3A_286 : memref<1x80x128xf32, #tpu.memory_space<hbm>> -> memref<80x128xf32, #tpu.memory_space<hbm>>
      %dma_wait3A_288 = arith.constant 0 : i32
      %dma_wait3A_289 = tpu.memref_slice %arg10[%add3A_259, %dma_wait3A_288] : memref<10240x128xf32, #tpu.memory_space<vmem_shared>> -> memref<80x128xf32, #tpu.memory_space<vmem_shared>>
      tpu.wait_dma2 semaphore(%arg13 : memref<!tpu.dma_semaphore, #tpu.memory_space<semaphore_mem>>) src(%dma_wait3A_289 : memref<80x128xf32, #tpu.memory_space<vmem_shared>>) dst(%dma_wait3A_287 : memref<80x128xf32, #tpu.memory_space<hbm>>)
    } else {
    }
    %add3A_267 = arith.constant 480 : i32
    %add3A_268 = arith.addi %mul3A_2, %add3A_267 : i32
    %add3A_269 = arith.constant 80 : i32
    %add3A_270 = arith.addi %add3A_268, %add3A_269 : i32
    %le3A_271 = arith.constant 10000 : i32
    %le3A_272 = arith.cmpi sle, %add3A_270, %le3A_271 : i32
    %convert_element_type3A_273 = arith.extui %le3A_272 : i1 to i32
    %cond3A_274 = arith.constant 0 : i32
    %cond3A_275 = arith.cmpi ne, %convert_element_type3A_273, %cond3A_274 : i32
    scf.if %cond3A_275 {
      %dma_wait3A_285 = arith.constant 0 : i32
      %dma_wait3A_286 = tpu.memref_slice %arg4[%arg0, %add3A_268, %dma_wait3A_285] : memref<2x10000x128xf32, #tpu.memory_space<hbm>> -> memref<1x80x128xf32, #tpu.memory_space<hbm>>
      %dma_wait3A_287 = tpu.memref_squeeze %dma_wait3A_286 : memref<1x80x128xf32, #tpu.memory_space<hbm>> -> memref<80x128xf32, #tpu.memory_space<hbm>>
      %dma_wait3A_288 = arith.constant 0 : i32
      %dma_wait3A_289 = tpu.memref_slice %arg10[%add3A_268, %dma_wait3A_288] : memref<10240x128xf32, #tpu.memory_space<vmem_shared>> -> memref<80x128xf32, #tpu.memory_space<vmem_shared>>
      tpu.wait_dma2 semaphore(%arg13 : memref<!tpu.dma_semaphore, #tpu.memory_space<semaphore_mem>>) src(%dma_wait3A_289 : memref<80x128xf32, #tpu.memory_space<vmem_shared>>) dst(%dma_wait3A_287 : memref<80x128xf32, #tpu.memory_space<hbm>>)
    } else {
    }
    %add3A_276 = arith.constant 560 : i32
    %add3A_277 = arith.addi %mul3A_2, %add3A_276 : i32
    %add3A_278 = arith.constant 80 : i32
    %add3A_279 = arith.addi %add3A_277, %add3A_278 : i32
    %le3A_280 = arith.constant 10000 : i32
    %le3A_281 = arith.cmpi sle, %add3A_279, %le3A_280 : i32
    %convert_element_type3A_282 = arith.extui %le3A_281 : i1 to i32
    %cond3A_283 = arith.constant 0 : i32
    %cond3A_284 = arith.cmpi ne, %convert_element_type3A_282, %cond3A_283 : i32
    scf.if %cond3A_284 {
      %dma_wait3A_285 = arith.constant 0 : i32
      %dma_wait3A_286 = tpu.memref_slice %arg4[%arg0, %add3A_277, %dma_wait3A_285] : memref<2x10000x128xf32, #tpu.memory_space<hbm>> -> memref<1x80x128xf32, #tpu.memory_space<hbm>>
      %dma_wait3A_287 = tpu.memref_squeeze %dma_wait3A_286 : memref<1x80x128xf32, #tpu.memory_space<hbm>> -> memref<80x128xf32, #tpu.memory_space<hbm>>
      %dma_wait3A_288 = arith.constant 0 : i32
      %dma_wait3A_289 = tpu.memref_slice %arg10[%add3A_277, %dma_wait3A_288] : memref<10240x128xf32, #tpu.memory_space<vmem_shared>> -> memref<80x128xf32, #tpu.memory_space<vmem_shared>>
      tpu.wait_dma2 semaphore(%arg13 : memref<!tpu.dma_semaphore, #tpu.memory_space<semaphore_mem>>) src(%dma_wait3A_289 : memref<80x128xf32, #tpu.memory_space<vmem_shared>>) dst(%dma_wait3A_287 : memref<80x128xf32, #tpu.memory_space<hbm>>)
    } else {
    }
    return
  }
}

module attributes {stable_mosaic.version = 14 : i64} {
  func.func @body(%arg0: i32, %arg1: memref<2x2000x128xf32, #tpu.memory_space<vmem>>, %arg2: memref<2000x2xf32, #tpu.memory_space<vmem>>, %arg3: memref<2000x128xf32, #tpu.memory_space<vmem>>, %arg4: memref<128x128xf32, #tpu.memory_space<vmem>>, %arg5: memref<128x128xf32, #tpu.memory_space<vmem>>, %arg6: memref<1x128xf32, #tpu.memory_space<vmem>>, %arg7: memref<1x128xf32, #tpu.memory_space<vmem>>, %arg8: memref<2000x128xf32, #tpu.memory_space<vmem>>) attributes {dimension_semantics = [#tpu.dimension_semantics<arbitrary>], iteration_bounds = array<i64: 5>, scalar_prefetch = 0 : i64, scratch_operands = 0 : i64, tpu.core_type = #tpu.core_type<tc>, window_params = [{transform_indices = @transform_0, window_bounds = array<i64: 2, 2000, 128>}, {transform_indices = @transform_1, window_bounds = array<i64: 2000, 2>}, {transform_indices = @transform_2, window_bounds = array<i64: 2000, 128>}, {pipeline_mode = #tpu.pipeline_mode<synchronous>, transform_indices = @transform_3, window_bounds = array<i64: 128, 128>}, {pipeline_mode = #tpu.pipeline_mode<synchronous>, transform_indices = @transform_4, window_bounds = array<i64: 128, 128>}, {pipeline_mode = #tpu.pipeline_mode<synchronous>, transform_indices = @transform_5, window_bounds = array<i64: 1, 128>}, {pipeline_mode = #tpu.pipeline_mode<synchronous>, transform_indices = @transform_6, window_bounds = array<i64: 1, 128>}, {transform_indices = @transform_7, window_bounds = array<i64: 2000, 128>}]} {
    %get3A = arith.constant 0 : index
    %get3A_0 = arith.constant 0 : index
    %get3A_1 = arith.constant 0 : index
    %get3A_2 = vector.load %arg1[%get3A, %get3A_0, %get3A_1] : memref<2x2000x128xf32, #tpu.memory_space<vmem>>, vector<1x2000x128xf32>
    %get3A_3 = vector.shape_cast %get3A_2 : vector<1x2000x128xf32> to vector<2000x128xf32>
    %get3A_4 = arith.constant 1 : index
    %get3A_5 = arith.constant 0 : index
    %get3A_6 = arith.constant 0 : index
    %get3A_7 = vector.load %arg1[%get3A_4, %get3A_5, %get3A_6] : memref<2x2000x128xf32, #tpu.memory_space<vmem>>, vector<1x2000x128xf32>
    %get3A_8 = vector.shape_cast %get3A_7 : vector<1x2000x128xf32> to vector<2000x128xf32>
    %add3A = arith.addf %get3A_3, %get3A_8 : vector<2000x128xf32>
    %get3A_9 = arith.constant 0 : index
    %get3A_10 = arith.constant 0 : index
    %get3A_11 = vector.load %arg2[%get3A_9, %get3A_10] : memref<2000x2xf32, #tpu.memory_space<vmem>>, vector<2000x2xf32>
    %reduce_sum3A = arith.constant dense<0.000000e+00> : vector<2000xf32>
    %reduce_sum3A_12 = vector.multi_reduction <add>, %get3A_11, %reduce_sum3A [1] : vector<2000x2xf32> to vector<2000xf32>
    %broadcast_in_dim3A = vector.shape_cast %reduce_sum3A_12 : vector<2000xf32> to vector<2000x1xf32>
    %max3A = arith.constant 1.000000e+00 : f32
    %max3A_13 = vector.broadcast %max3A : f32 to vector<2000x1xf32>
    %max3A_14 = arith.maximumf %broadcast_in_dim3A, %max3A_13 : vector<2000x1xf32>
    %div3A = vector.broadcast %max3A_14 : vector<2000x1xf32> to vector<2000x128xf32>
    %div3A_15 = arith.divf %add3A, %div3A : vector<2000x128xf32>
    %get3A_16 = arith.constant 0 : index
    %get3A_17 = arith.constant 0 : index
    %get3A_18 = vector.load %arg4[%get3A_16, %get3A_17] : memref<128x128xf32, #tpu.memory_space<vmem>>, vector<128x128xf32>
    %dot_general3A = arith.constant dense<0.000000e+00> : vector<2000x128xf32>
    %dot_general3A_19 = tpu.matmul %div3A_15, %get3A_18, %dot_general3A {dimension_numbers = #tpu.dot_dimension_numbers<[1], [0], [0], [1], [0, 0, 1, 1], [], []>, transpose_lhs_hint = false} : vector<2000x128xf32>, vector<128x128xf32>, vector<2000x128xf32> -> vector<2000x128xf32>
    %get3A_20 = arith.constant 0 : index
    %get3A_21 = arith.constant 0 : index
    %get3A_22 = vector.load %arg3[%get3A_20, %get3A_21] : memref<2000x128xf32, #tpu.memory_space<vmem>>, vector<2000x128xf32>
    %get3A_23 = arith.constant 0 : index
    %get3A_24 = arith.constant 0 : index
    %get3A_25 = vector.load %arg5[%get3A_23, %get3A_24] : memref<128x128xf32, #tpu.memory_space<vmem>>, vector<128x128xf32>
    %dot_general3A_26 = arith.constant dense<0.000000e+00> : vector<2000x128xf32>
    %dot_general3A_27 = tpu.matmul %get3A_22, %get3A_25, %dot_general3A_26 {dimension_numbers = #tpu.dot_dimension_numbers<[1], [0], [0], [1], [0, 0, 1, 1], [], []>, transpose_lhs_hint = false} : vector<2000x128xf32>, vector<128x128xf32>, vector<2000x128xf32> -> vector<2000x128xf32>
    %add3A_28 = arith.addf %dot_general3A_19, %dot_general3A_27 : vector<2000x128xf32>
    %reduce_sum3A_29 = arith.constant dense<0.000000e+00> : vector<2000xf32>
    %reduce_sum3A_30 = vector.multi_reduction <add>, %add3A_28, %reduce_sum3A_29 [1] : vector<2000x128xf32> to vector<2000xf32>
    %broadcast_in_dim3A_31 = vector.shape_cast %reduce_sum3A_30 : vector<2000xf32> to vector<2000x1xf32>
    %div3A_32 = arith.constant 1.280000e+02 : f32
    %div3A_33 = vector.broadcast %div3A_32 : f32 to vector<2000x1xf32>
    %div3A_34 = arith.divf %broadcast_in_dim3A_31, %div3A_33 : vector<2000x1xf32>
    %sub3A = vector.broadcast %div3A_34 : vector<2000x1xf32> to vector<2000x128xf32>
    %sub3A_35 = arith.subf %add3A_28, %sub3A : vector<2000x128xf32>
    %mul3A = arith.mulf %sub3A_35, %sub3A_35 : vector<2000x128xf32>
    %reduce_sum3A_36 = arith.constant dense<0.000000e+00> : vector<2000xf32>
    %reduce_sum3A_37 = vector.multi_reduction <add>, %mul3A, %reduce_sum3A_36 [1] : vector<2000x128xf32> to vector<2000xf32>
    %broadcast_in_dim3A_38 = vector.shape_cast %reduce_sum3A_37 : vector<2000xf32> to vector<2000x1xf32>
    %div3A_39 = arith.constant 1.280000e+02 : f32
    %div3A_40 = vector.broadcast %div3A_39 : f32 to vector<2000x1xf32>
    %div3A_41 = arith.divf %broadcast_in_dim3A_38, %div3A_40 : vector<2000x1xf32>
    %add3A_42 = arith.constant 9.99999974E-6 : f32
    %add3A_43 = vector.broadcast %add3A_42 : f32 to vector<2000x1xf32>
    %add3A_44 = arith.addf %div3A_41, %add3A_43 : vector<2000x1xf32>
    %rsqrt3A = math.rsqrt %add3A_44 : vector<2000x1xf32>
    %mul3A_45 = vector.broadcast %rsqrt3A : vector<2000x1xf32> to vector<2000x128xf32>
    %mul3A_46 = arith.mulf %sub3A_35, %mul3A_45 : vector<2000x128xf32>
    %get3A_47 = arith.constant 0 : index
    %get3A_48 = arith.constant 0 : index
    %get3A_49 = vector.load %arg6[%get3A_47, %get3A_48] : memref<1x128xf32, #tpu.memory_space<vmem>>, vector<1x128xf32>
    %mul3A_50 = vector.broadcast %get3A_49 : vector<1x128xf32> to vector<2000x128xf32>
    %mul3A_51 = arith.mulf %mul3A_46, %mul3A_50 : vector<2000x128xf32>
    %get3A_52 = arith.constant 0 : index
    %get3A_53 = arith.constant 0 : index
    %get3A_54 = vector.load %arg7[%get3A_52, %get3A_53] : memref<1x128xf32, #tpu.memory_space<vmem>>, vector<1x128xf32>
    %add3A_55 = vector.broadcast %get3A_54 : vector<1x128xf32> to vector<2000x128xf32>
    %add3A_56 = arith.addf %mul3A_51, %add3A_55 : vector<2000x128xf32>
    %max3A_57 = arith.constant 0.000000e+00 : f32
    %max3A_58 = vector.broadcast %max3A_57 : f32 to vector<2000x128xf32>
    %max3A_59 = arith.maximumf %add3A_56, %max3A_58 : vector<2000x128xf32>
    %swap3A = arith.constant 0 : index
    %swap3A_60 = arith.constant 0 : index
    %swap3A_61 = vector.load %arg8[%swap3A, %swap3A_60] : memref<2000x128xf32, #tpu.memory_space<vmem>>, vector<2000x128xf32>
    tpu.vector_store %arg8[%swap3A, %swap3A_60], %max3A_59 {strides = array<i32>} : memref<2000x128xf32, #tpu.memory_space<vmem>>, vector<2000x128xf32>,
    return
  }
  func.func @transform_0(%arg0: i32) -> (i32, i32, i32) {
    %c0_i32 = arith.constant 0 : i32
    %c0_i32_0 = arith.constant 0 : i32
    %c0_i32_1 = arith.constant 0 : i32
    return %c0_i32, %arg0, %c0_i32_0 : i32, i32, i32
  }
  func.func @transform_1(%arg0: i32) -> (i32, i32) {
    %c0_i32 = arith.constant 0 : i32
    %c0_i32_0 = arith.constant 0 : i32
    return %arg0, %c0_i32 : i32, i32
  }
  func.func @transform_2(%arg0: i32) -> (i32, i32) {
    %c0_i32 = arith.constant 0 : i32
    %c0_i32_0 = arith.constant 0 : i32
    return %arg0, %c0_i32 : i32, i32
  }
  func.func @transform_3(%arg0: i32) -> (i32, i32) {
    %c0_i32 = arith.constant 0 : i32
    %c0_i32_0 = arith.constant 0 : i32
    %c0_i32_1 = arith.constant 0 : i32
    return %c0_i32, %c0_i32_0 : i32, i32
  }
  func.func @transform_4(%arg0: i32) -> (i32, i32) {
    %c0_i32 = arith.constant 0 : i32
    %c0_i32_0 = arith.constant 0 : i32
    %c0_i32_1 = arith.constant 0 : i32
    return %c0_i32, %c0_i32_0 : i32, i32
  }
  func.func @transform_5(%arg0: i32) -> (i32, i32) {
    %c0_i32 = arith.constant 0 : i32
    %c0_i32_0 = arith.constant 0 : i32
    %c0_i32_1 = arith.constant 0 : i32
    return %c0_i32, %c0_i32_0 : i32, i32
  }
  func.func @transform_6(%arg0: i32) -> (i32, i32) {
    %c0_i32 = arith.constant 0 : i32
    %c0_i32_0 = arith.constant 0 : i32
    %c0_i32_1 = arith.constant 0 : i32
    return %c0_i32, %c0_i32_0 : i32, i32
  }
  func.func @transform_7(%arg0: i32) -> (i32, i32) {
    %c0_i32 = arith.constant 0 : i32
    %c0_i32_0 = arith.constant 0 : i32
    return %arg0, %c0_i32 : i32, i32
  }
}

</mosaic_0001>

<sc_bundles>
// kernel: kernel.4.cloned.1.call-start
scs
__scs_entry_jumppad:
0x0: {  	(pc) =	sbr.rel $0x88, $3  }
0x1: {  	(tag) =	ssettag $0x0;
	lr =	simm.s32 $0x1  }
0x2: {  	[smem:$0x3F9B] =	sst lr;
	_ =	strace $0xD0000000  }
0x3: {  	_ = 	snop  }
0x4: {  	_ = 	snop  }
0x5: {  	_ = 	snop  }
0x6: {  	_ = 	snop  }
0x7: {  	_ = 	snop  }
__scs_overlays_trampoline_lowered:
0x8: {  	[smem:$0x3FAA] =	sst s0  }
0x9: {  	[smem:$0x3FAB] =	sst s1  }
0xa: {  	[smem:$0x3FAC] =	sst s2  }
0xb: {  	[smem:$0x3FAD] =	sst s3  }
0xc: {  	[smem:$0x3FAE] =	sst s4  }
0xd: {  	[smem:$0x3FAF] =	sst s5  }
0xe: {  	[smem:$0x3FB0] =	sst s6  }
0xf: {  	[smem:$0x3FB1] =	sst s7  }
0x10: {  	[smem:$0x3FB2] =	sst s8  }
0x11: {  	[smem:$0x3FB3] =	sst s9;
	s0 =	simm.s32 @!p0 $0x0  }
0x12: {  	s1 =	sld [smem:$0x3F99];
	s0 =	simm.s32 @p0 $0x1  }
0x13: {  	[smem:$0x3FB4] =	sst s0;
	s0 =	simm.s32 @!p1 $0x0  }
0x14: {  	s2 =	sld [smem:$0x3F98];
	s0 =	simm.s32 @p1 $0x1  }
0x15: {  	[smem:$0x3FB5] =	sst s0;
	s0 =	simm.s32 @!p2 $0x0  }
0x16: {  	s3 =	sld [smem:$0x3FDB];
	s0 =	simm.s32 @p2 $0x1  }
0x17: {  	s4 =	simm.s32 $0x1BF5;
	[smem:$0x3FB7] =	sst s0  }
0x18: {  	s0 =	sld [smem:$0x3F9A];
	_ =	swait.ge [sflag:s4], $0x0  }
0x19: {  	s7 =	sld [smem:$0x3F9B]  }
0x1a: {  	s8 =	sadd.s32 $0xFFFFE003, lr  }
0x1b: {  	s9 =	sadd.s32 $0xFFFFFEF7, lr;
	s5 =	simm.s32 $0xFFFFFFFF;
	p2 =	slt.u32 s8, $0xFFFFF086  }
0x1c: {  	p1 =	slt.u32 s9, $0xF7A;
	s5 =	simm.s32 @!p2 $0x0  }
0x1d: {  	s5 =	simm.s32 @p1 $0x1;
	p0 =	seq.s32 s7, s2  }
0x1e: {  	s7 =	smul.u32 @!p0 $0xF7A, s2;
	p2 =	seq.s32 @!p0 s5, $0x0  }
0x1f: {  	s9 =	smul.u32 $0xF7A, s1;
	s8 =	simm.s32 @!p0 $0x1BF5;
	p2 =	por !p2, p0  }
0x20: {  	[sflag:s8] =	ssyncset.s32 @!p0 $0xFFFFF086;
	s6 =	sadd.s32 @!p0 s3, s7;
	s7 =	simm.s32 @!p0 $0x108  }
0x21: {  	s3 =	sadd.s32 s3, s9;
	s6 =	sadd.s32 @!p0 $0x88, s6;
	s7 =	simm.s32 @p2 $0x1082  }
0x22: {  	[simem:s7], [sflag:s8] =	dma.local @!p0 [hbm:s6], $0xF7A  }
0x23: {  	s9 =	sor.u32 $0xD0000000, s2;
	s6 =	simm.s32 $0x108;
	_ =	swait.ge @!p0 [sflag:s8], $0x0  }
0x24: {  	s3 =	sadd.s32 $0x88, s3;
	s6 =	simm.s32 @!p1 $0x1082;
	[sflag:s4] =	ssyncset.s32 $0xFFFFF086  }
0x25: {  	[simem:s6], [sflag:s4] =	dma.local [hbm:s3], $0xF7A  }
0x26: {  	[smem:$0x3F9B] =	sst s1;
	(tag) =	ssettag s2;
	_ =	strace s9  }
0x27: {  	s1 =	sld [smem:$0x3FAB]  }
0x28: {  	s2 =	sld [smem:$0x3FAC]  }
0x29: {  	s4 =	sld [smem:$0x3FAE]  }
0x2a: {  	p0 =	seq.s32 s5, $0x0;
	s5 =	sld [smem:$0x3FAF]  }
0x2b: {  	s6 =	sld [smem:$0x3FB0]  }
0x2c: {  	s7 =	sld [smem:$0x3FB1]  }
0x2d: {  	s3 =	simm.s32 $0x108;
	s8 =	sld [smem:$0x3FB2]  }
0x2e: {  	s3 =	simm.s32 @!p0 $0x1082;
	s9 =	sld [smem:$0x3FB3]  }
0x2f: {  	lr =	sadd.s32 s0, s3;
	s0 =	sld [smem:$0x3FAA]  }
0x30: {  	s3 =	sld [smem:$0x3FAD]  }
0x31: {  	[smem:$0x3FB6] =	sst s10  }
0x32: {  	s10 =	sld [smem:$0x3FB4];
	_ =	sdelay $0x3  }
0x33: {  	p0 =	seq.s32 s10, $0x1;
	s10 =	sld [smem:$0x3FB6];
	_ =	sdelay $0x3  }
0x34: {  	[smem:$0x3FB6] =	sst s10  }
0x35: {  	s10 =	sld [smem:$0x3FB5];
	_ =	sdelay $0x3  }
0x36: {  	p1 =	seq.s32 s10, $0x1;
	s10 =	sld [smem:$0x3FB6];
	_ =	sdelay $0x3  }
0x37: {  	[smem:$0x3FB6] =	sst s10  }
0x38: {  	s10 =	sld [smem:$0x3FB7]  }
0x39: {  	_ = 	snop;
	(pc) =	sbr.ind lr, $3  }
0x3a: {  	_ = 	snop  }
0x3b: {  	_ = 	snop  }
0x3c: {  	p2 =	seq.s32 s10, $0x1;
	s10 =	sld [smem:$0x3FB6]  }
0x3d: {  	_ =	shalt  }
0x3e: {  	_ =	shalt  }
0x3f: {  	_ =	shalt  }
0x40: {  	_ =	shalt  }
0x41: {  	_ =	shalt  }
0x42: {  	_ =	shalt  }
0x43: {  	_ =	shalt  }
0x44: {  	_ =	shalt  }
0x45: {  	_ =	shalt  }
0x46: {  	_ =	shalt  }
0x47: {  	_ =	shalt  }
0x48: {  	_ =	shalt  }
0x49: {  	_ =	shalt  }
0x4a: {  	_ =	shalt  }
0x4b: {  	_ =	shalt  }
0x4c: {  	_ =	shalt  }
0x4d: {  	_ =	shalt  }
0x4e: {  	_ =	shalt  }
0x4f: {  	_ =	shalt  }
0x50: {  	_ =	shalt  }
0x51: {  	_ =	shalt  }
0x52: {  	_ =	shalt  }
0x53: {  	_ =	shalt  }
0x54: {  	_ =	shalt  }
0x55: {  	_ =	shalt  }
0x56: {  	_ =	shalt  }
0x57: {  	_ =	shalt  }
0x58: {  	_ =	shalt  }
0x59: {  	_ =	shalt  }
0x5a: {  	_ =	shalt  }
0x5b: {  	_ =	shalt  }
0x5c: {  	_ =	shalt  }
0x5d: {  	_ =	shalt  }
0x5e: {  	_ =	shalt  }
0x5f: {  	_ =	shalt  }
0x60: {  	_ =	shalt  }
0x61: {  	_ =	shalt  }
0x62: {  	_ =	shalt  }
0x63: {  	_ =	shalt  }
0x64: {  	_ =	shalt  }
0x65: {  	_ =	shalt  }
0x66: {  	_ =	shalt  }
0x67: {  	_ =	shalt  }
0x68: {  	_ =	shalt  }
0x69: {  	_ =	shalt  }
0x6a: {  	_ =	shalt  }
0x6b: {  	_ =	shalt  }
0x6c: {  	_ =	shalt  }
0x6d: {  	_ =	shalt  }
0x6e: {  	_ =	shalt  }
0x6f: {  	_ =	shalt  }
0x70: {  	_ =	shalt  }
0x71: {  	_ =	shalt  }
0x72: {  	_ =	shalt  }
0x73: {  	_ =	shalt  }
0x74: {  	_ =	shalt  }
0x75: {  	_ =	shalt  }
0x76: {  	_ =	shalt  }
0x77: {  	_ =	shalt  }
0x78: {  	_ =	shalt  }
0x79: {  	_ =	shalt  }
0x7a: {  	_ =	shalt  }
0x7b: {  	_ =	shalt  }
0x7c: {  	_ =	shalt  }
0x7d: {  	_ =	shalt  }
0x7e: {  	_ =	shalt  }
0x7f: {  	_ =	shalt  }
0x80: {  	_ =	shalt  }
0x81: {  	_ =	shalt  }
0x82: {  	_ =	shalt  }
0x83: {  	_ =	shalt  }
0x84: {  	_ =	shalt  }
0x85: {  	_ =	shalt  }
0x86: {  	_ =	shalt  }
0x87: {  	_ =	shalt  }
.Lfunc_end0:
.L_simem_size_0:
called_computation_lowered:
.L_overlay_start_0:
0x88: {  	s2 =	sld [smem:$0x3FD9]  }
0x89: {  	s3 =	sld [smem:$0x3FFE];
	_ =	sdelay $0x1  }
0x8a: {  	s1 =	srdreg.scid  }
0x8b: {  	s0 =	sand.u32 $0x1, s1  }
0x8c: {  	s17 =	sshll.u32 s0, $0xA;
	s2 =	sadd.s32 s3, s2  }
0x8d: {  	s2 =	sadd.s32 s2, s17  }
0x8e: {  	[smem:$0x3FC2] =	sst s2  }
0x8f: {  	_ = 	snop  }
0x90: {  	s2 =	sld [smem:$0x3FC9]  }
0x91: {  	s18 =	sld [smem:$0x3FD0];
	(tm) =	ssettm $0x1  }
0x92: {  	s4 =	sld [smem:$0x3FFB];
	_ =	sdelay $0x3  }
0x93: {  	_ =	strace s4  }
0x94: {  	s4 =	sld [smem:$0x3FFC];
	_ =	sdelay $0x3  }
0x95: {  	_ =	strace s4  }
0x96: {  	s4 =	sld [smem:$0x3FFD];
	_ =	sdelay $0x3  }
0x97: {  	_ =	strace s4  }
0x98: {  	_ =	strace $0x8FFFFFFF  }
0x99: {  	s19 =	sld [smem:$0x3FDB];
	_ =	sdelay $0x1  }
0x9a: {  	s5 =	simm.s32 $_scs_section_size  }
0x9b: {  	s6 =	simm.s32 $_size__tile_overlayer_lowered;
	s7 =	simm.s32 $_tile_overlayer_lowered  }
0x9c: {  	s22 =	simm.s32 $0x1BFF;
	s21 =	sshll.u32 s7, $0x1;
	s4 =	sadd.s32 s5, s19  }
0x9d: {  	s8 =	simm.s32 $0x0;
	s20 =	sshll.u32 s6, $0x1;
	s6 =	sadd.s32 s21, s4  }
0x9e: {  	[timem:s8], [sflag:s22] =	dma.local [hbm:s6], s20  }
0x9f: {  	_ =	swait.ge [sflag:s22], s20  }
0xa0: {  	s5 =	ssub.s32 $0x0, s20;
	[sflag:s22] =	ssyncset.done $0x0  }
0xa1: {  	[sflag:s22] =	ssyncadd.s32 s5;
	_ =	sdelay $0x1  }
0xa2: {  	s23 =	simm.s32 $0x1B8B  }
0xa3: {  	_ =	swait.ge [sflag:s23], $0x1  }
0xa4: {  	[sflag:s23] =	ssyncset.done $0x0  }
0xa5: {  	s25 =	simm.s32 $0x1B8E;
	s24 =	sld [smem:$0x3FFE];
	[sflag:s23] =	ssyncadd.s32 $0xFFFFFFFF  }
0xa6: {  	s26 =	simm.s32 $execute0_lowered;
	[smem:$0x3FD2] =	sst s25  }
0xa7: {  	s6 =	sshll.u32 s26, $0x1;
	_ =	strace $0x80000046;
	[dreg:$0x1] =	wrdreg $0xFFFFFFFF  }
0xa8: {  	s28 =	simm.s32 $_size_execute0_lowered;
	s4 =	sadd.s32 s4, s6;
	[dreg:$0x0] =	wrdreg $0x0  }
0xa9: {  	s6 =	sshll.u32 s28, $0x1;
	[dreg:$0x2] =	wrdreg s4  }
0xaa: {  	[dreg:$0x3] =	wrdreg s6  }
0xab: {  	[dreg:$0x4] =	wrdreg $0xC0  }
0xac: {  	_ =	task [dreg:s8], $0x5FFFF  }
0xad: {  	[dreg:$0x1] =	wrdreg $0xFFFFFFFF  }
0xae: {  	[dreg:$0x0] =	wrdreg $0x60  }
0xaf: {  	[dreg:$0x2] =	wrdreg s2  }
0xb0: {  	[dreg:$0x3] =	wrdreg s18  }
0xb1: {  	[dreg:$0x4] =	wrdreg s24  }
0xb2: {  	[dreg:$0x5] =	wrdreg $0x9F800  }
0xb3: {  	[dreg:$0x6] =	wrdreg $0x1DF800  }
0xb4: {  	[dreg:$0x7] =	wrdreg $0x9  }
0xb5: {  	_ =	task.clear_ibuf [dreg:s8], $0x8FFFF;
	_ =	strace $0x90000046  }
0xb6: {  	s29 =	simm.s32 $0x9;
	_ =	strace $0x80000048  }
0xb7: {  	_ =	swait.ge [sflag:s29], $0x1  }
0xb8: {  	[sflag:s29] =	ssyncadd.s32 $0xFFFFFFFF  }
0xb9: {  	_ =	strace $0x90000048  }
0xba: {  	_ =	sfence  }
0xbb: {  	s30 =	sld [smem:$0x0];
	_ =	sdelay $0x2  }
0xbc: {  	s31 =	sshll.u32 s1, $0xD;
	s1 =	sshrl.u32 s1, $0x2  }
0xbd: {  	s3 =	sand.u32 $0x4000, s31;
	s1 =	sadd.s32 s1, s30  }
0xbe: {  	s0 =	sor.u32 s3, s0;
	s1 =	sshll.u32 s1, $0x11  }
0xbf: {  	s0 =	sor.u32 s1, s0  }
0xc0: {  	s0 =	sadd.s32 $0x8F2B, s0  }
0xc1: {  	[sflag:s0] =	ssyncadd.remote.s32 $0x1  }
0xc2: {  	_ =	sfence.sel $0xFFFF  }
0xc3: {  	[dreg:$0x0] =	wrdreg $0xFFFFFFFF;
	(pc) =	sbr.abs _section_cstart, $3  }
0xc4: {  	[dreg:$0x1] =	wrdreg $0xFFFFFFFF  }
0xc5: {  	_ =	task.clear_ibuf [dreg:s8], $0x2FFFF;
	_ =	strace $0x9FFFFFFF  }
0xc6: {  	(tm) =	ssettm $0x7FFFFFFF  }
0xc7: {  	_ =	shalt  }
tec
execute0_lowered:
.L_overlay_start_1:
0x0: {  	(tag) =	ssettag $0x1  }
0x1: {  	s1 =	rddreg [dreg:$0x0];
	s0 =	srdreg.scid  }
0x2: {  	s24 =	stileid.u32;
	s4 =	rddreg [dreg:$0x1]  }
0x3: {  	s5 =	rddreg [dreg:$0x2];
	s3 =	smul.u32 $0x500, s24  }
0x4: {  	s2 =	rddreg [dreg:$0x3];
	s7 =	simm.s32 $0x0;
	s9 =	smul.u32 $0x280, s24  }
0x5: {  	s0 =	sand.u32 $0x1, s0;
	[smem:$0x7FF] =	sst s7;
	s11 =	smul.u32 $0x50000, s24  }
0x6: {  	s7 =	sadd.s32 $0x2600, s5;
	s15 =	smul.u32 $0x14000, s24;
	p0 =	seq.s32 s24, $0xF  }
0x7: {  	s6 =	sshll.u32 s0, $0x7;
	s17 =	ssub.s32 $0x2, s0;
	s8 =	sshll.u32 s0, $0x4  }
0x8: {  	s0 =	smul.u32 $0x138800, s0;
	s6 =	sor.u32 s6, s3;
	s3 =	rddreg [dreg:$0x4]  }
0x9: {  	s10 =	sshrl.u32 s17, $0x1;
	s8 =	sor.u32 s24, s8;
	s18 =	sshll.u32 s9, $0x7  }
0xa: {  	s11 =	sshrl.u32 s11, $0x2;
	s6 =	sshrl.u32 s6, $0x3;
	s8 =	smul.u32 $0x2710, s8  }
0xb: {  	s12 =	sor.u32 $0x2800, s18;
	s13 =	sadd.s32 $0x5000, s18;
	s14 =	sadd.s32 $0x7800, s18  }
0xc: {  	s19 =	sadd.s32 $0xA000, s18;
	s20 =	sadd.s32 $0xC800, s18;
	s21 =	sadd.s32 $0xF000, s18  }
0xd: {  	s15 =	sadd.s32 s15, s0;
	s5 =	sadd.s32 s6, s5;
	s6 =	ssub.s32 s17, s10  }
0xe: {  	s10 =	sadd.s32 $0x11800, s18;
	s22 =	sshrl.u32 s15, $0x3;
	s23 =	sadd.s32 s0, s12  }
0xf: {  	s28 =	sadd.s32 s0, s13;
	s16 =	sadd.s32 s0, s14;
	s18 =	sadd.s32 s0, s19  }
0x10: {  	s19 =	sadd.s32 s19, s2;
	s8 =	sshrl.u32 s8, $0x3;
	s26 =	sshrl.u32 s23, $0x3  }
0x11: {  	s15 =	sshrl.u32 s28, $0x3;
	s17 =	sshrl.u32 s16, $0x3;
	s23 =	sadd.s32 s0, s20  }
0x12: {  	s28 =	sadd.s32 s0, s21;
	s0 =	sadd.s32 s0, s10;
	s16 =	sadd.s32 s12, s2  }
0x13: {  	s20 =	sadd.s32 s20, s2;
	s21 =	sadd.s32 s21, s2;
	s25 =	sadd.s32 s4, s8  }
0x14: {  	s4 =	sadd.s32 s7, s22;
	s22 =	sshrl.u32 s18, $0x3;
	s8 =	sshrl.u32 s28, $0x3  }
0x15: {  	s0 =	sshrl.u32 s0, $0x3;
	s18 =	sadd.s32 s14, s2;
	s14 =	smax.u32 s6, $0x1  }
0x16: {  	s6 =	simm.s32 $0x7700;
	[dreg:$0x6] =	wrdreg s4;
	s4 =	sadd.s32 s7, s26  }
0x17: {  	s26 =	sshrl.u32 s23, $0x3;
	s0 =	sadd.s32 s7, s0;
	s23 =	sadd.s32 s9, s3  }
0x18: {  	s29 =	smov.u32 s25;
	s31 =	sadd.s32 $0x9C40, s25;
	[dreg:$0x7] =	wrdreg s4  }
0x19: {  	s9 =	simm.s32 $0x3;
	s4 =	sadd.s32 s7, s15;
	[dreg:$0xd] =	wrdreg s0  }
0x1a: {  	s15 =	sadd.s32 s11, s2;
	[dreg:$0x8] =	wrdreg s4;
	s4 =	sadd.s32 s7, s17  }
0x1b: {  	s24 =	sadd.s32 $0x80, s23;
	[dreg:$0x9] =	wrdreg s4;
	s4 =	sadd.s32 s7, s22  }
0x1c: {  	s28 =	sadd.s32 $0x180, s23;
	[dreg:$0xa] =	wrdreg s4;
	s4 =	sadd.s32 s7, s26  }
0x1d: {  	s30 =	sadd.s32 $0x200, s23;
	[dreg:$0xb] =	wrdreg s4;
	s4 =	sadd.s32 s7, s8  }
0x1e: {  	s17 =	sadd.s32 s13, s2;
	s13 =	sadd.s32 $0x1C00, s5;
	[dreg:$0xc] =	wrdreg s4  }
0x1f: {  	s11 =	simm.s32 $0x4F00;
	_ =	strace $0x80000047;
	[dreg:$0xe] =	wrdreg s13  }
0x20: {  	s0 =	simm.s32 $0x4;
	s5 =	simm.s32 $0x10;
	[dreg:$0xf] =	wrdreg s14  }
0x21: {  	s22 =	sadd.s32 s10, s2;
	s26 =	sadd.s32 $0x100, s23;
	[dreg:$0x10] =	wrdreg s24  }
0x22: {  	s10 =	simm.s32 $0x0;
	s7 =	simm.s32 $0x1;
	[dreg:$0x11] =	wrdreg s26  }
0x23: {  	v0 =	vimm.f32 $0.0e+00;
	v1 =	vimm.f32 $1.000000000e+00;
	s8 =	simm.s32 $0x2;
	s4 =	simm.s32 $0x50;
	[dreg:$0x12] =	wrdreg s28  }
.LBB2_1:
0x24: {  	s13 =	simm.s32 $0x0  }
0x25: {  	s12 =	sand.u32 $0xFE00, s13  }
0x26: {  	s13 =	sand.u32 $0x70, s13;
	s14 =	sshrl.u32 s12, $0x2  }
0x27: {  	s12 =	simm.s32 $0x40;
	s14 =	sor.u32 s13, s14;
	s13 =	simm.s32 $0x0  }
.LBB2_2:
0x28: {  	p1 =	sne.s32 s12, $0x9FC0  }
0x29: {  	[tilespmem:s14+$0x4F00] =	vst v0;
	s13 =	sadd.s32 $0x10, s13;
	s14 =	smov.u32 s12;
	s12 =	sadd.s32 $0x40, s12  }
.Ltmp0:
0x2a: {  	(pc) =	sbr.rel @p1 .LBB2_2-.Ltmp0, $4  }
0x2b: {  	_ = 	snop  }
0x2c: {  	s14 =	sand.u32 $0xFE00, s14  }
0x2d: {  	s24 =	sand.u32 $0x70, s13;
	s14 =	sshrl.u32 s14, $0x2  }
0x2e: {  	s14 =	sor.u32 s24, s14  }
0x2f: {  	[tilespmem:s14+$0x4F00] =	vst v0  }
0x30: {  	[spmem:s15] =	stream.linear.scatter [tilespmem:s11], [sflag:$0x4], $0x2800, $0x38;
	[tilespmem:$0x1E200] =	vst v63  }
0x31: {  	_ =	swait.ge [sflag:s0], $0x2800  }
0x32: {  	[sflag:s0] =	ssyncset.done $0x0  }
0x33: {  	[sflag:s0] =	ssyncadd.s32 $0xFFFFD800  }
0x34: {  	[spmem:s16] =	stream.linear.scatter [tilespmem:s11], [sflag:$0x4], $0x2800, $0x38;
	[tilespmem:$0x1E200] =	vst v63  }
0x35: {  	_ =	swait.ge [sflag:s0], $0x2800  }
0x36: {  	[sflag:s0] =	ssyncset.done $0x0  }
0x37: {  	[sflag:s0] =	ssyncadd.s32 $0xFFFFD800  }
0x38: {  	[spmem:s17] =	stream.linear.scatter [tilespmem:s11], [sflag:$0x4], $0x2800, $0x38;
	[tilespmem:$0x1E200] =	vst v63  }
0x39: {  	_ =	swait.ge [sflag:s0], $0x2800  }
0x3a: {  	[sflag:s0] =	ssyncset.done $0x0  }
0x3b: {  	[sflag:s0] =	ssyncadd.s32 $0xFFFFD800  }
0x3c: {  	[spmem:s18] =	stream.linear.scatter [tilespmem:s11], [sflag:$0x4], $0x2800, $0x38;
	[tilespmem:$0x1E200] =	vst v63  }
0x3d: {  	_ =	swait.ge [sflag:s0], $0x2800  }
0x3e: {  	[sflag:s0] =	ssyncset.done $0x0  }
0x3f: {  	[sflag:s0] =	ssyncadd.s32 $0xFFFFD800  }
0x40: {  	[spmem:s19] =	stream.linear.scatter [tilespmem:s11], [sflag:$0x4], $0x2800, $0x38;
	[tilespmem:$0x1E200] =	vst v63  }
0x41: {  	_ =	swait.ge [sflag:s0], $0x2800  }
0x42: {  	[sflag:s0] =	ssyncset.done $0x0  }
0x43: {  	[sflag:s0] =	ssyncadd.s32 $0xFFFFD800  }
0x44: {  	[spmem:s20] =	stream.linear.scatter [tilespmem:s11], [sflag:$0x4], $0x2800, $0x38;
	[tilespmem:$0x1E200] =	vst v63  }
0x45: {  	_ =	swait.ge [sflag:s0], $0x2800  }
0x46: {  	[sflag:s0] =	ssyncset.done $0x0  }
0x47: {  	[sflag:s0] =	ssyncadd.s32 $0xFFFFD800  }
0x48: {  	[spmem:s21] =	stream.linear.scatter [tilespmem:s11], [sflag:$0x4], $0x2800, $0x38;
	[tilespmem:$0x1E200] =	vst v63  }
0x49: {  	_ =	swait.ge [sflag:s0], $0x2800  }
0x4a: {  	[sflag:s0] =	ssyncset.done $0x0  }
0x4b: {  	[sflag:s0] =	ssyncadd.s32 $0xFFFFD800  }
0x4c: {  	[spmem:s22] =	stream.linear.scatter [tilespmem:s11], [sflag:$0x4], $0x2800, $0x38;
	[tilespmem:$0x1E200] =	vst v63  }
0x4d: {  	_ =	swait.ge [sflag:s0], $0x2800  }
0x4e: {  	[sflag:s0] =	ssyncset.done $0x0  }
0x4f: {  	[sflag:s0] =	ssyncadd.s32 $0xFFFFD800  }
0x50: {  	[spmem:s23] =	stream.linear.scatter [tilespmem:s11], [sflag:$0x4], $0x80, $0x38;
	[tilespmem:$0x1E200] =	vst v63  }
0x51: {  	_ =	swait.ge [sflag:s0], $0x80  }
0x52: {  	[sflag:s0] =	ssyncset.done $0x0  }
0x53: {  	s12 =	rddreg [dreg:$0x10];
	[sflag:s0] =	ssyncadd.s32 $0xFFFFFF80  }
0x54: {  	[spmem:s12] =	stream.linear.scatter [tilespmem:s11], [sflag:$0x4], $0x80, $0x38;
	[tilespmem:$0x1E200] =	vst v63  }
0x55: {  	_ =	swait.ge [sflag:s0], $0x80  }
0x56: {  	[sflag:s0] =	ssyncset.done $0x0  }
0x57: {  	s24 =	rddreg [dreg:$0x11];
	[sflag:s0] =	ssyncadd.s32 $0xFFFFFF80  }
0x58: {  	[spmem:s24] =	stream.linear.scatter [tilespmem:s11], [sflag:$0x4], $0x80, $0x38;
	[tilespmem:$0x1E200] =	vst v63  }
0x59: {  	_ =	swait.ge [sflag:s0], $0x80  }
0x5a: {  	[sflag:s0] =	ssyncset.done $0x0  }
0x5b: {  	s25 =	rddreg [dreg:$0x12];
	[sflag:s0] =	ssyncadd.s32 $0xFFFFFF80  }
0x5c: {  	[spmem:s25] =	stream.linear.scatter [tilespmem:s11], [sflag:$0x4], $0x80, $0x38;
	[tilespmem:$0x1E200] =	vst v63  }
0x5d: {  	_ =	swait.ge [sflag:s0], $0x80  }
0x5e: {  	[sflag:s0] =	ssyncset.done $0x0  }
0x5f: {  	[sflag:s0] =	ssyncadd.s32 $0xFFFFFF80  }
0x60: {  	[spmem:s30] =	stream.linear.scatter [tilespmem:s11], [sflag:$0x4], $0x80, $0x38;
	[tilespmem:$0x1E200] =	vst v63  }
0x61: {  	_ =	swait.ge [sflag:s0], $0x80  }
0x62: {  	[sflag:s0] =	ssyncset.done $0x0  }
0x63: {  	[sflag:s0] =	ssyncadd.s32 $0xFFFFFF80  }
0x64: {  	[tilespmem:$0x9F00] =	vst v1  }
0x65: {  	[tilespmem:$0x9F10] =	vst v1  }
0x66: {  	[tilespmem:$0x9F20] =	vst v1  }
0x67: {  	[tilespmem:$0x9F30] =	vst v1  }
0x68: {  	[tilespmem:$0x9F40] =	vst v1  }
0x69: {  	[tilespmem:$0x9F50] =	vst v1  }
0x6a: {  	[tilespmem:$0x9F60] =	vst v1  }
0x6b: {  	s13 =	simm.s32 $0x0;
	[tilespmem:$0x9F70] =	vst v1  }
0x6c: {  	[tilespmem:s13], [sflag:$0x4] =	stream.linear.gather [hbm4b:s29+s13], $0x2780, $0x38;
	[tilespmem:$0x1E200] =	vst v63  }
0x6d: {  	_ =	swait.ge [sflag:s0], $0x2780  }
0x6e: {  	[sflag:s0] =	ssyncset.done $0x0  }
0x6f: {  	s12 =	simm.s32 $0x2780;
	[sflag:s0] =	ssyncadd.s32 $0xFFFFD880  }
0x70: {  	[tilespmem:s12], [sflag:$0x4] =	stream.linear.gather [hbm4b:s31+s13], $0x2780, $0x38;
	[tilespmem:$0x1E200] =	vst v63  }
0x71: {  	_ =	swait.ge [sflag:s0], $0x2780  }
0x72: {  	[sflag:s0] =	ssyncset.done $0x0  }
0x73: {  	[sflag:s0] =	ssyncadd.s32 $0xFFFFD880  }
0x74: {  	[bflag:$0x0] =	sbarrier.arrive $0xFFFF  }
0x75: {  	[tilespmem:s11], [sflag:$0x1] =	stream.indirect.gather [hbm4b:s1+s4], $0x80, s13, s4, $0xb8;
	[tilespmem:$0x1E200] =	vst v63  }
0x76: {  	s26 =	simm.s32 $0x50  }
0x77: {  	[tilespmem:s6], [sflag:$0x2] =	stream.indirect.gather [hbm4b:s1+s4], $0x80, s26, s4, $0xb8;
	[tilespmem:$0x1E200] =	vst v63  }
0x78: {  	_ =	swait.ge [sflag:s7], $0x2800  }
0x79: {  	[sflag:s7] =	ssyncset.done $0x0  }
0x7a: {  	[sflag:s7] =	ssyncadd.s32 $0xFFFFD800  }
0x7b: {  	[spmem:s2] =	stream.indirect.scatter.add.f32 [tilespmem:s11], [sflag:$0x4], $0x80, s12, s4, $0xb8;
	[tilespmem:$0x1E200] =	vst v63  }
0x7c: {  	_ =	swait.ge [sflag:s0], $0x2800  }
0x7d: {  	[sflag:s0] =	ssyncset.done $0x0  }
0x7e: {  	s13 =	simm.s32 $0xA0;
	[sflag:s0] =	ssyncadd.s32 $0xFFFFD800  }
0x7f: {  	[tilespmem:s11], [sflag:$0x1] =	stream.indirect.gather [hbm4b:s1+s4], $0x80, s13, s4, $0xb8;
	[tilespmem:$0x1E200] =	vst v63  }
0x80: {  	_ =	swait.ge [sflag:s8], $0x2800  }
0x81: {  	[sflag:s8] =	ssyncset.done $0x0  }
0x82: {  	s28 =	simm.s32 $0x27D0;
	[sflag:s8] =	ssyncadd.s32 $0xFFFFD800  }
0x83: {  	[spmem:s2] =	stream.indirect.scatter.add.f32 [tilespmem:s6], [sflag:$0x4], $0x80, s28, s4, $0xb8;
	[tilespmem:$0x1E200] =	vst v63  }
0x84: {  	_ =	swait.ge [sflag:s0], $0x2800  }
0x85: {  	p2 =	por $0x0, $0x0;
	[sflag:s0] =	ssyncset.done $0x0  }
0x86: {  	s14 =	simm.s32 @!p2 $0x80;
	s24 =	simm.s32 @!p2 $0x9F00;
	[sflag:s0] =	ssyncadd.s32 $0xFFFFD800  }
0x87: {  	[spmem:s3] =	stream.indirect.scatter.add.f32 @!p2 [tilespmem:s24], [sflag:$0x3], $0x1, s12, s14, $0xb8;
	[tilespmem:$0x1E200] =	vst v63  }
0x88: {  	s25 =	simm.s32 @!p2 $0x2800  }
0x89: {  	[spmem:s3] =	stream.indirect.scatter.add.f32 @!p2 [tilespmem:s24], [sflag:$0x3], $0x1, s25, s14, $0xb8;
	[tilespmem:$0x1E200] =	vst v63  }
0x8a: {  	p1 =	por $0x1, $0x1;
	p2 =	por $0x1, $0x1  }
.Ltmp1:
0x8b: {  	s25 =	simm.s32 @!p1 $0x3;
	(pc) =	sbr.rel @!p2 .LBB2_5-.Ltmp1, $4  }
0x8c: {  	_ =	swait.ge @!p1 [sflag:s25], $0x80  }
0x8d: {  	[sflag:s25] =	ssyncset.done @!p1 $0x0  }
0x8e: {  	[sflag:s25] =	ssyncadd.s32 @!p1 $0xFFFFFF80  }
0x8f: {  	s24 =	simm.s32 $0x1;
	s14 =	simm.s32 $0x2820;
	_ =	swait.ge @!p1 [sflag:s25], $0x80  }
.LBB2_4:
0x90: {  	[sflag:s25] =	ssyncset.done @!p1 $0x0;
	s12 =	sadd.s32 $0x100, s12;
	s13 =	sadd.s32 $0xA0, s13  }
0x91: {  	s26 =	sadd.s32 $0xFFFFFFB0, s13;
	[sflag:s25] =	ssyncadd.s32 @!p1 $0xFFFFFF80  }
0x92: {  	[tilespmem:s6], [sflag:$0x2] =	stream.indirect.gather [hbm4b:s1+s4], $0x80, s26, s4, $0xb8;
	[tilespmem:$0x1E200] =	vst v63  }
0x93: {  	_ =	swait.ge [sflag:s7], $0x2800  }
0x94: {  	[sflag:s7] =	ssyncset.done $0x0  }
0x95: {  	[sflag:s7] =	ssyncadd.s32 $0xFFFFD800  }
0x96: {  	[spmem:s2] =	stream.indirect.scatter.add.f32 [tilespmem:s11], [sflag:$0x4], $0x80, s14, s4, $0xb8;
	[tilespmem:$0x1E200] =	vst v63  }
0x97: {  	_ =	swait.ge [sflag:s0], $0x2800  }
0x98: {  	[sflag:s0] =	ssyncset.done $0x0  }
0x99: {  	[sflag:s0] =	ssyncadd.s32 $0xFFFFD800  }
0x9a: {  	[tilespmem:s11], [sflag:$0x1] =	stream.indirect.gather [hbm4b:s1+s4], $0x80, s13, s4, $0xb8;
	[tilespmem:$0x1E200] =	vst v63  }
0x9b: {  	_ =	swait.ge [sflag:s8], $0x2800  }
0x9c: {  	[sflag:s8] =	ssyncset.done $0x0  }
0x9d: {  	s25 =	sadd.s32 $0x50, s14;
	[sflag:s8] =	ssyncadd.s32 $0xFFFFD800  }
0x9e: {  	[spmem:s2] =	stream.indirect.scatter.add.f32 [tilespmem:s6], [sflag:$0x4], $0x80, s25, s4, $0xb8;
	[tilespmem:$0x1E200] =	vst v63  }
0x9f: {  	_ =	swait.ge [sflag:s0], $0x2800  }
0xa0: {  	p2 =	sgt.u32 s24, $0x26;
	s24 =	sadd.s32 $0xFFFFFFFF, s24;
	[sflag:s0] =	ssyncset.done $0x0  }
0xa1: {  	s26 =	simm.s32 @!p2 $0x9F00;
	s25 =	simm.s32 @!p2 $0x80;
	[sflag:s0] =	ssyncadd.s32 $0xFFFFD800  }
0xa2: {  	[spmem:s3] =	stream.indirect.scatter.add.f32 @!p2 [tilespmem:s26], [sflag:$0x3], $0x1, s12, s25, $0xb8;
	[tilespmem:$0x1E200] =	vst v63  }
0xa3: {  	s28 =	sadd.s32 @!p2 $0x80, s12;
	p1 =	sgt.u32 s24, $0x26;
	s24 =	sadd.s32 $0x2, s24  }
0xa4: {  	[spmem:s3] =	stream.indirect.scatter.add.f32 @!p2 [tilespmem:s26], [sflag:$0x3], $0x1, s28, s25, $0xb8;
	[tilespmem:$0x1E200] =	vst v63  }
0xa5: {  	p2 =	sne.s32 s24, $0x3D  }
.Ltmp2:
0xa6: {  	s25 =	simm.s32 @!p1 $0x3;
	(pc) =	sbr.rel @p2 .LBB2_4-.Ltmp2, $4  }
0xa7: {  	_ =	swait.ge @!p1 [sflag:s25], $0x80  }
0xa8: {  	[sflag:s25] =	ssyncset.done @!p1 $0x0  }
0xa9: {  	[sflag:s25] =	ssyncadd.s32 @!p1 $0xFFFFFF80  }
0xaa: {  	s14 =	sadd.s32 $0xA0, s14;
	_ =	swait.ge @!p1 [sflag:s25], $0x80  }
.LBB2_5:
0xab: {  	[sflag:s25] =	ssyncset.done @!p1 $0x0  }
0xac: {  	s12 =	simm.s32 $0x2670;
	[sflag:s25] =	ssyncadd.s32 @!p1 $0xFFFFFF80  }
0xad: {  	[tilespmem:s6], [sflag:$0x2] =	stream.indirect.gather [hbm4b:s1+s4], $0x80, s12, s4, $0xb8;
	[tilespmem:$0x1E200] =	vst v63  }
0xae: {  	_ =	swait.ge [sflag:s7], $0x2800  }
0xaf: {  	[sflag:s7] =	ssyncset.done $0x0  }
0xb0: {  	s28 =	simm.s32 $0x4DA0;
	[sflag:s7] =	ssyncadd.s32 $0xFFFFD800  }
0xb1: {  	[spmem:s2] =	stream.indirect.scatter.add.f32 [tilespmem:s11], [sflag:$0x4], $0x80, s28, s4, $0xb8;
	[tilespmem:$0x1E200] =	vst v63  }
0xb2: {  	_ =	swait.ge [sflag:s0], $0x2800  }
0xb3: {  	[sflag:s0] =	ssyncset.done $0x0  }
0xb4: {  	s13 =	simm.s32 $0x26C0;
	[sflag:s0] =	ssyncadd.s32 $0xFFFFD800  }
0xb5: {  	[tilespmem:s11], [sflag:$0x1] =	stream.indirect.gather [hbm4b:s1+s4], $0x80, s13, s4, $0xb8;
	[tilespmem:$0x1E200] =	vst v63  }
0xb6: {  	_ =	swait.ge [sflag:s8], $0x2800  }
0xb7: {  	[sflag:s8] =	ssyncset.done $0x0  }
0xb8: {  	s14 =	simm.s32 $0x4DF0;
	[sflag:s8] =	ssyncadd.s32 $0xFFFFD800  }
0xb9: {  	[spmem:s2] =	stream.indirect.scatter.add.f32 [tilespmem:s6], [sflag:$0x4], $0x80, s14, s4, $0xb8;
	[tilespmem:$0x1E200] =	vst v63  }
0xba: {  	_ =	swait.ge [sflag:s0], $0x2800  }
0xbb: {  	[sflag:s0] =	ssyncset.done $0x0  }
0xbc: {  	[sflag:s0] =	ssyncadd.s32 $0xFFFFD800  }
0xbd: {  	_ =	swait.ge [sflag:s7], $0x2800  }
0xbe: {  	[sflag:s7] =	ssyncset.done $0x0  }
0xbf: {  	s24 =	simm.s32 $0x4E40;
	[sflag:s7] =	ssyncadd.s32 $0xFFFFD800  }
0xc0: {  	[spmem:s2] =	stream.indirect.scatter.add.f32 [tilespmem:s11], [sflag:$0x4], $0x80, s24, s4, $0xb8;
	[tilespmem:$0x1E200] =	vst v63  }
0xc1: {  	_ =	swait.ge [sflag:s0], $0x2800  }
0xc2: {  	[sflag:s0] =	ssyncset.done $0x0  }
0xc3: {  	s25 =	simm.s32 $0x4E80;
	s13 =	simm.s32 $0x9F00;
	[sflag:s0] =	ssyncadd.s32 $0xFFFFD800  }
0xc4: {  	[spmem:s3] =	stream.indirect.scatter.add.f32 [tilespmem:s13], [sflag:$0x3], $0x1, s25, s5, $0xb8;
	[tilespmem:$0x1E200] =	vst v63  }
0xc5: {  	_ =	swait.ge [sflag:s9], $0x10  }
0xc6: {  	[sflag:s9] =	ssyncset.done $0x0  }
0xc7: {  	s26 =	stileid.u32;
	[sflag:s9] =	ssyncadd.s32 $0xFFFFFFF0  }
0xc8: {  	s12 =	sshll.u32 s26, $0x6;
	[bflag:$0x0] =	sbarrier.arrive $0xFFFF  }
0xc9: {  	s14 =	sshrl.u32 s15, $0x3;
	s13 =	sor.u32 $0x1C02, s12;
	s24 =	rddreg [dreg:$0x6]  }
0xca: {  	[hbm:s24], [sflag:s13] =	dma.local [spmem:s14], $0x500  }
0xcb: {  	s28 =	sshrl.u32 s16, $0x3;
	s24 =	rddreg [dreg:$0x7]  }
0xcc: {  	[hbm:s24], [sflag:s13] =	dma.local [spmem:s28], $0x500  }
0xcd: {  	s25 =	sshrl.u32 s17, $0x3;
	s24 =	rddreg [dreg:$0x8]  }
0xce: {  	[hbm:s24], [sflag:s13] =	dma.local [spmem:s25], $0x500  }
0xcf: {  	s26 =	sshrl.u32 s18, $0x3;
	s24 =	rddreg [dreg:$0x9]  }
0xd0: {  	[hbm:s24], [sflag:s13] =	dma.local [spmem:s26], $0x500  }
0xd1: {  	s28 =	sshrl.u32 s19, $0x3;
	s24 =	rddreg [dreg:$0xa]  }
0xd2: {  	[hbm:s24], [sflag:s13] =	dma.local [spmem:s28], $0x500  }
0xd3: {  	s14 =	sshrl.u32 @!p0 s20, $0x3;
	s24 =	rddreg [dreg:$0xb]  }
0xd4: {  	[hbm:s24], [sflag:s13] =	dma.local @!p0 [spmem:s14], $0x500  }
0xd5: {  	s14 =	sshrl.u32 @!p0 s21, $0x3;
	s24 =	rddreg [dreg:$0xc]  }
0xd6: {  	[hbm:s24], [sflag:s13] =	dma.local @!p0 [spmem:s14], $0x500  }
0xd7: {  	s12 =	sor.u32 $0x1C04, s12;
	s14 =	sshrl.u32 @!p0 s22, $0x3;
	s24 =	rddreg [dreg:$0xd]  }
0xd8: {  	[hbm:s24], [sflag:s13] =	dma.local @!p0 [spmem:s14], $0x500  }
0xd9: {  	s25 =	sshrl.u32 s23, $0x3;
	s26 =	simm.s32 $0x20;
	s14 =	rddreg [dreg:$0xe]  }
0xda: {  	[hbm:s14@s26], [sflag:s12] =	dma.strided [spmem:s25@s5], $0x50, s7, $0x10   }
0xdb: {  	_ =	swait.ge [sflag:s0], $0x50  }
0xdc: {  	[sflag:s0] =	ssyncset.done $0x0  }
0xdd: {  	[sflag:s0] =	ssyncadd.s32 $0xFFFFFFB0  }
0xde: {  	_ =	swait.ge [sflag:s8], $0x500  }
0xdf: {  	[sflag:s8] =	ssyncset.done $0x0  }
0xe0: {  	[sflag:s8] =	ssyncadd.s32 $0xFFFFFB00  }
0xe1: {  	_ =	swait.ge [sflag:s8], $0x500  }
0xe2: {  	[sflag:s8] =	ssyncset.done $0x0  }
0xe3: {  	[sflag:s8] =	ssyncadd.s32 $0xFFFFFB00  }
0xe4: {  	_ =	swait.ge [sflag:s8], $0x500  }
0xe5: {  	[sflag:s8] =	ssyncset.done $0x0  }
0xe6: {  	[sflag:s8] =	ssyncadd.s32 $0xFFFFFB00  }
0xe7: {  	_ =	swait.ge [sflag:s8], $0x500  }
0xe8: {  	[sflag:s8] =	ssyncset.done $0x0  }
0xe9: {  	[sflag:s8] =	ssyncadd.s32 $0xFFFFFB00  }
0xea: {  	_ =	swait.ge [sflag:s8], $0x500  }
0xeb: {  	[sflag:s8] =	ssyncset.done $0x0  }
0xec: {  	s12 =	simm.s32 @!p0 $0x2;
	[sflag:s8] =	ssyncadd.s32 $0xFFFFFB00  }
0xed: {  	_ =	swait.ge @!p0 [sflag:s12], $0x500  }
0xee: {  	[sflag:s12] =	ssyncset.done @!p0 $0x0  }
0xef: {  	[sflag:s12] =	ssyncadd.s32 @!p0 $0xFFFFFB00  }
0xf0: {  	_ =	swait.ge @!p0 [sflag:s12], $0x500  }
0xf1: {  	[sflag:s12] =	ssyncset.done @!p0 $0x0  }
0xf2: {  	[sflag:s12] =	ssyncadd.s32 @!p0 $0xFFFFFB00  }
0xf3: {  	_ =	swait.ge @!p0 [sflag:s12], $0x500  }
0xf4: {  	s10 =	sadd.s32 $0x1, s10;
	s28 =	rddreg [dreg:$0xf]  }
0xf5: {  	p1 =	sne.s32 s10, s28  }
.Ltmp3:
0xf6: {  	_ = 	snop;
	(pc) =	sbr.rel @p1 .LBB2_1-.Ltmp3, $3  }
0xf7: {  	_ =	sdelay $0x1  }
0xf8: {  	[sflag:s12] =	ssyncset.done @!p0 $0x0  }
0xf9: {  	[sflag:s12] =	ssyncadd.s32 @!p0 $0xFFFFFB00  }
0xfa: {  	_ =	sfence.sel $0x180000  }
0xfb: {  	[bflag:$0x0] =	sbarrier.arrive $0xFFFF  }
0xfc: {  	_ =	strace $0x90000047  }
0xfd: {  	s0 =	stileid.u32;
	[bflag:$0x2] =	sbarrier.arrive $0xFFFF  }
0xfe: {  	p0 =	sne.s32 s0, $0x0;
	s0 =	rddreg [dreg:$0x5]  }
0xff: {  	s0 =	sadd.s32 @!p0 $0x100000, s0  }
0x100: {  	[sflag:s0] =	ssyncadd.tile.s32 @!p0 $0x1;
	_ =	shalt  }
.Lfunc_end2:
_tile_overlayer_lowered:
.L_overlay_start_2:
0x101: {  	(tag) =	ssettag $0x2  }
0x102: {  	s0 =	rddreg [dreg:$0x0];
	s2 =	stileid.u32  }
0x103: {  	s1 =	rddreg [dreg:$0x1];
	p0 =	sne.s32 s2, $0x0  }
0x104: {  	s3 =	rddreg [dreg:$0x2];
	[bflag:$0x3] =	sbarrier.arrive $0xFFFF;
	s2 =	simm.s32 @!p0 $0x1C04  }
0x105: {  	[timem:s3], [sflag:s2] =	dma.local @!p0 [hbm:s0], s1  }
0x106: {  	s0 =	simm.s32 @!p0 $0x4  }
0x107: {  	_ =	swait.ge @!p0 [sflag:s0], s1  }
0x108: {  	s1 =	ssub.s32 @!p0 $0x0, s1;
	[sflag:s0] =	ssyncset.done @!p0 $0x0  }
0x109: {  	[sflag:s0] =	ssyncadd.s32 @!p0 s1  }
0x10a: {  	[bflag:$0x3] =	sbarrier.arrive $0xFFFF  }
0x10b: {  	_ =	shalt  }

</sc_bundles>
